<compile_context>
chip_gen: v7x
topology: tpu7x:2x2x1
jax: 0.10.2.dev20260603
libtpu: 0.0.44.dev20260713+nightly
codegen_flags: <defaults>
</compile_context>

<pallas_src>
import functools

import jax
import jax.numpy as jnp
from jax import lax
from jax.experimental import pallas as pl
from jax.experimental.pallas import tpu as pltpu
from jax.experimental.pallas import tpu_sc as plsc

BATCH = 4
SEQ = 8192
D = 1024

SEQ_TC = 7168
SEQ_SC = SEQ - SEQ_TC
SEQ_BLK = 1024

NC = 2
NS = 16
NW = NC * NS

ROWS_PER_W = SEQ_SC // NW
R = 16
CHUNKS = ROWS_PER_W // R
CHUNK_ELEMS = R * D
VECS = CHUNK_ELEMS // 16
STEPS = CHUNKS * BATCH

_mesh = plsc.VectorSubcoreMesh(core_axis_name="c", subcore_axis_name="s")


@functools.partial(
    pl.kernel,
    mesh=_mesh,
    out_type=jax.ShapeDtypeStruct((BATCH * SEQ_SC * D,), jnp.float32),
    scratch_types=[
        pltpu.VMEM((CHUNK_ELEMS,), jnp.float32),
        pltpu.VMEM((CHUNK_ELEMS,), jnp.float32),
        pltpu.VMEM((CHUNK_ELEMS,), jnp.float32),
        pltpu.VMEM((CHUNK_ELEMS,), jnp.float32),
        pltpu.VMEM((CHUNK_ELEMS,), jnp.float32),
        pltpu.VMEM((CHUNK_ELEMS,), jnp.float32),
        pltpu.SemaphoreType.DMA,
        pltpu.SemaphoreType.DMA,
        pltpu.SemaphoreType.DMA,
        pltpu.SemaphoreType.DMA,
        pltpu.SemaphoreType.DMA,
        pltpu.SemaphoreType.DMA,
        pltpu.SemaphoreType.DMA,
        pltpu.SemaphoreType.DMA,
        pltpu.SemaphoreType.DMA,
        pltpu.SemaphoreType.DMA,
    ],
)
def _sc_add(x_hbm, pos_hbm, out_hbm,
            xb0, xb1, xb2, xb3, pb0, pb1,
            in0, in1, in2, in3, o0, o1, o2, o3, ps0, ps1):
    wid = lax.axis_index("s") * NC + lax.axis_index("c")
    row0 = SEQ_TC + wid * ROWS_PER_W
    out_row0 = wid * ROWS_PER_W

    xbufs = (xb0, xb1, xb2, xb3)
    pbufs = (pb0, pb1)
    in_sems = (in0, in1, in2, in3)
    out_sems = (o0, o1, o2, o3)
    pos_sems = (ps0, ps1)

    def x_off(step):
        c, b = step // BATCH, step % BATCH
        return (b * SEQ + row0 + c * R) * D

    def out_off(step):
        c, b = step // BATCH, step % BATCH
        return (b * SEQ_SC + out_row0 + c * R) * D

    def start_x(step):
        p = step % 4
        return pltpu.async_copy(
            x_hbm.at[pl.ds(x_off(step), CHUNK_ELEMS)], xbufs[p], in_sems[p])

    def start_pos(c):
        p = c % 2
        return pltpu.async_copy(
            pos_hbm.at[pl.ds((row0 + c * R) * D, CHUNK_ELEMS)],
            pbufs[p], pos_sems[p])

    def start_out(step):
        p = step % 4
        return pltpu.async_copy(
            xbufs[p], out_hbm.at[pl.ds(out_off(step), CHUNK_ELEMS)],
            out_sems[p])

    in_flight = {}
    pos_flight = {}
    out_flight = {}

    pos_flight[0] = start_pos(0)
    in_flight[0] = start_x(0)
    in_flight[1] = start_x(1)

    for s in range(STEPS):
        p = s % 4
        c = s // BATCH
        nxt = s + 2
        if nxt < STEPS:
            if nxt - 4 >= 0:
                out_flight[nxt - 4].wait()
            in_flight[nxt] = start_x(nxt)
        if s % BATCH == 3 and c + 1 < CHUNKS:
            pos_flight[c + 1] = start_pos(c + 1)

        in_flight[s].wait()
        if s % BATCH == 0:
            pos_flight[c].wait()

        xb = xbufs[p]
        pb = pbufs[c % 2]

        @plsc.parallel_loop(0, VECS, step=1, unroll=8)
        def _add(k, xb=xb, pb=pb):
            sl = pl.ds(k * 16, 16)
            xb[sl] = xb[sl] + pb[sl]

        out_flight[s] = start_out(s)

    for s in range(max(0, STEPS - 4), STEPS):
        out_flight[s].wait()


def _tc_body(x_ref, pos_ref, o_ref):
    o_ref[...] = x_ref[...] + pos_ref[...]


def _tc_add(x_tc, pos_tc):
    n_s = SEQ_TC // SEQ_BLK
    return pl.pallas_call(
        _tc_body,
        grid=(n_s, BATCH),
        in_specs=[
            pl.BlockSpec((1, SEQ_BLK, D), lambda s, b: (b, s, 0)),
            pl.BlockSpec((SEQ_BLK, D), lambda s, b: (s, 0)),
        ],
        out_specs=pl.BlockSpec((1, SEQ_BLK, D), lambda s, b: (b, s, 0)),
        out_shape=jax.ShapeDtypeStruct((BATCH, SEQ_TC, D), jnp.float32),
    )(x_tc, pos_tc)


def kernel(x, pos_table):
    sc_out = _sc_add(x.reshape(-1), pos_table.reshape(-1))
    tc_out = _tc_add(x[:, :SEQ_TC, :], pos_table[:SEQ_TC, :])
    return jnp.concatenate(
        [tc_out, sc_out.reshape(BATCH, SEQ_SC, D)], axis=1)

# --- scband reference (transcript-rebuilt; emitter-appended) ---
"""Pipeline reference for scband-learned-positional-embedding-74182675137155 (READ-ONLY COPY).

The authoritative reference and input builder live on the scoring server;
editing this copy changes nothing except your own understanding.
"""

import jax, jax.numpy as jnp
import numpy as np

SEQ_LEN = 8192
D_MODEL = 1024
BATCH = 4

def setup_inputs(seed: int = 0) -> dict:
    key = jax.random.key(seed)
    k1, k2 = jax.random.split(key)
    x = jax.random.normal(k1, (BATCH, SEQ_LEN, D_MODEL), dtype=jnp.float32)
    pos_table = jax.random.normal(k2, (SEQ_LEN, D_MODEL), dtype=jnp.float32) * 0.02
    return {"x": x, "pos_table": pos_table}

def reference(x, pos_table):
    if x.shape[1] != SEQ_LEN:
        raise ValueError(f"Expected seq_len={SEQ_LEN}, got {x.shape[1]}")
    idx = jnp.arange(SEQ_LEN)
    pos = jnp.take(pos_table, idx, axis=0)
    return x + pos[None, :, :]

if __name__ == "__main__":
    import jax
    _d = setup_inputs()
    print(jax.jit(kernel)(*tuple(_d.values())))

</pallas_src>

<mosaic_0001>
#map = affine_map<(d0, d1) -> (0)>
module attributes {stable_mosaic.version = 14 : i64} {
  func.func @_sc_add(%arg0: i32, %arg1: i32, %arg2: memref<33554432xf32, #tpu.memory_space<hbm>>, %arg3: memref<8388608xf32, #tpu.memory_space<hbm>>, %arg4: memref<4194304xf32, #tpu.memory_space<hbm>>, %arg5: memref<16384xf32, #tpu.memory_space<vmem>>, %arg6: memref<16384xf32, #tpu.memory_space<vmem>>, %arg7: memref<16384xf32, #tpu.memory_space<vmem>>, %arg8: memref<16384xf32, #tpu.memory_space<vmem>>, %arg9: memref<16384xf32, #tpu.memory_space<vmem>>, %arg10: memref<16384xf32, #tpu.memory_space<vmem>>, %arg11: memref<!tpu.dma_semaphore, #tpu.memory_space<semaphore_mem>>, %arg12: memref<!tpu.dma_semaphore, #tpu.memory_space<semaphore_mem>>, %arg13: memref<!tpu.dma_semaphore, #tpu.memory_space<semaphore_mem>>, %arg14: memref<!tpu.dma_semaphore, #tpu.memory_space<semaphore_mem>>, %arg15: memref<!tpu.dma_semaphore, #tpu.memory_space<semaphore_mem>>, %arg16: memref<!tpu.dma_semaphore, #tpu.memory_space<semaphore_mem>>, %arg17: memref<!tpu.dma_semaphore, #tpu.memory_space<semaphore_mem>>, %arg18: memref<!tpu.dma_semaphore, #tpu.memory_space<semaphore_mem>>, %arg19: memref<!tpu.dma_semaphore, #tpu.memory_space<semaphore_mem>>, %arg20: memref<!tpu.dma_semaphore, #tpu.memory_space<semaphore_mem>>) attributes {dimension_semantics = [#tpu.dimension_semantics<core_parallel>, #tpu.dimension_semantics<subcore_parallel>], iteration_bounds = array<i64: 2, 16>, scalar_prefetch = 0 : i64, scratch_operands = 16 : i64, tpu.core_type = #tpu.core_type<sc_vector_subcore>, window_params = [{transform_indices = #map}, {transform_indices = #map}, {transform_indices = #map}]} {
    %mul3A = arith.constant 2 : i32
    %mul3A_0 = arith.muli %arg1, %mul3A : i32
    %add3A = arith.addi %mul3A_0, %arg0 : i32
    %mul3A_1 = arith.constant 32 : i32
    %mul3A_2 = arith.muli %add3A, %mul3A_1 : i32
    %add3A_3 = arith.constant 7168 : i32
    %add3A_4 = arith.addi %add3A_3, %mul3A_2 : i32
    %mul3A_5 = arith.constant 32 : i32
    %mul3A_6 = arith.muli %add3A, %mul3A_5 : i32
    %add3A_7 = arith.constant 0 : i32
    %add3A_8 = arith.addi %add3A_4, %add3A_7 : i32
    %mul3A_9 = arith.constant 1024 : i32
    %mul3A_10 = arith.muli %add3A_8, %mul3A_9 : i32
    %dma_start3A = tpu.memref_slice %arg3[%mul3A_10] : memref<8388608xf32, #tpu.memory_space<hbm>> -> memref<16384xf32, #tpu.memory_space<hbm>>
    %dma_start3A_11 = tpu.memref_slice %arg3[%mul3A_10] : memref<8388608xf32, #tpu.memory_space<hbm>> -> memref<16384xf32, #tpu.memory_space<hbm>>
    tpu.enqueue_dma source(%dma_start3A_11 : memref<16384xf32, #tpu.memory_space<hbm>>) target(%arg9 : memref<16384xf32, #tpu.memory_space<vmem>>) target_semaphore(%arg19 : memref<!tpu.dma_semaphore, #tpu.memory_space<semaphore_mem>>)
    %add3A_12 = arith.constant 0 : i32
    %add3A_13 = arith.addi %add3A_12, %add3A_4 : i32
    %add3A_14 = arith.constant 0 : i32
    %add3A_15 = arith.addi %add3A_13, %add3A_14 : i32
    %mul3A_16 = arith.constant 1024 : i32
    %mul3A_17 = arith.muli %add3A_15, %mul3A_16 : i32
    %dma_start3A_18 = tpu.memref_slice %arg2[%mul3A_17] : memref<33554432xf32, #tpu.memory_space<hbm>> -> memref<16384xf32, #tpu.memory_space<hbm>>
    %dma_start3A_19 = tpu.memref_slice %arg2[%mul3A_17] : memref<33554432xf32, #tpu.memory_space<hbm>> -> memref<16384xf32, #tpu.memory_space<hbm>>
    tpu.enqueue_dma source(%dma_start3A_19 : memref<16384xf32, #tpu.memory_space<hbm>>) target(%arg5 : memref<16384xf32, #tpu.memory_space<vmem>>) target_semaphore(%arg11 : memref<!tpu.dma_semaphore, #tpu.memory_space<semaphore_mem>>)
    %add3A_20 = arith.constant 8192 : i32
    %add3A_21 = arith.addi %add3A_20, %add3A_4 : i32
    %add3A_22 = arith.constant 0 : i32
    %add3A_23 = arith.addi %add3A_21, %add3A_22 : i32
    %mul3A_24 = arith.constant 1024 : i32
    %mul3A_25 = arith.muli %add3A_23, %mul3A_24 : i32
    %dma_start3A_26 = tpu.memref_slice %arg2[%mul3A_25] : memref<33554432xf32, #tpu.memory_space<hbm>> -> memref<16384xf32, #tpu.memory_space<hbm>>
    %dma_start3A_27 = tpu.memref_slice %arg2[%mul3A_25] : memref<33554432xf32, #tpu.memory_space<hbm>> -> memref<16384xf32, #tpu.memory_space<hbm>>
    tpu.enqueue_dma source(%dma_start3A_27 : memref<16384xf32, #tpu.memory_space<hbm>>) target(%arg6 : memref<16384xf32, #tpu.memory_space<vmem>>) target_semaphore(%arg12 : memref<!tpu.dma_semaphore, #tpu.memory_space<semaphore_mem>>)
    %add3A_28 = arith.constant 16384 : i32
    %add3A_29 = arith.addi %add3A_28, %add3A_4 : i32
    %add3A_30 = arith.constant 0 : i32
    %add3A_31 = arith.addi %add3A_29, %add3A_30 : i32
    %mul3A_32 = arith.constant 1024 : i32
    %mul3A_33 = arith.muli %add3A_31, %mul3A_32 : i32
    %dma_start3A_34 = tpu.memref_slice %arg2[%mul3A_33] : memref<33554432xf32, #tpu.memory_space<hbm>> -> memref<16384xf32, #tpu.memory_space<hbm>>
    %dma_start3A_35 = tpu.memref_slice %arg2[%mul3A_33] : memref<33554432xf32, #tpu.memory_space<hbm>> -> memref<16384xf32, #tpu.memory_space<hbm>>
    tpu.enqueue_dma source(%dma_start3A_35 : memref<16384xf32, #tpu.memory_space<hbm>>) target(%arg7 : memref<16384xf32, #tpu.memory_space<vmem>>) target_semaphore(%arg13 : memref<!tpu.dma_semaphore, #tpu.memory_space<semaphore_mem>>)
    %dma_wait3A = tpu.memref_slice %arg2[%mul3A_17] : memref<33554432xf32, #tpu.memory_space<hbm>> -> memref<16384xf32, #tpu.memory_space<hbm>>
    %dma_wait3A_36 = tpu.memref_slice %arg2[%mul3A_17] : memref<33554432xf32, #tpu.memory_space<hbm>> -> memref<16384xf32, #tpu.memory_space<hbm>>
    tpu.wait_dma2 semaphore(%arg11 : memref<!tpu.dma_semaphore, #tpu.memory_space<semaphore_mem>>) src(%dma_wait3A_36 : memref<16384xf32, #tpu.memory_space<hbm>>) dst(%arg5 : memref<16384xf32, #tpu.memory_space<vmem>>)
    %dma_wait3A_37 = tpu.memref_slice %arg3[%mul3A_10] : memref<8388608xf32, #tpu.memory_space<hbm>> -> memref<16384xf32, #tpu.memory_space<hbm>>
    %dma_wait3A_38 = tpu.memref_slice %arg3[%mul3A_10] : memref<8388608xf32, #tpu.memory_space<hbm>> -> memref<16384xf32, #tpu.memory_space<hbm>>
    tpu.wait_dma2 semaphore(%arg19 : memref<!tpu.dma_semaphore, #tpu.memory_space<semaphore_mem>>) src(%dma_wait3A_38 : memref<16384xf32, #tpu.memory_space<hbm>>) dst(%arg9 : memref<16384xf32, #tpu.memory_space<vmem>>)
    %parallel_loop3A = arith.constant 0 : i32
    %parallel_loop3A_39 = arith.constant 1024 : i32
    %parallel_loop3A_40 = arith.constant 1 : i32
    scf.for %parallel_loop3A_204 = %parallel_loop3A to %parallel_loop3A_39 step %parallel_loop3A_40  : i32 {
      %parallel_loop3A_205 = arith.constant 16 : i32
      %parallel_loop3A_206 = arith.muli %parallel_loop3A_204, %parallel_loop3A_205 : i32
      %parallel_loop3A_207 = arith.index_cast %parallel_loop3A_206 : i32 to index
      %parallel_loop3A_208 = tpu.vector_load %arg5[%parallel_loop3A_207] {strides = array<i32>} : memref<16384xf32, #tpu.memory_space<vmem>>, vector<16xf32>,
      %parallel_loop3A_209 = vector.shape_cast %parallel_loop3A_208 : vector<16xf32> to vector<16xf32>
      %parallel_loop3A_210 = arith.index_cast %parallel_loop3A_206 : i32 to index
      %parallel_loop3A_211 = tpu.vector_load %arg9[%parallel_loop3A_210] {strides = array<i32>} : memref<16384xf32, #tpu.memory_space<vmem>>, vector<16xf32>,
      %parallel_loop3A_212 = vector.shape_cast %parallel_loop3A_211 : vector<16xf32> to vector<16xf32>
      %parallel_loop3A_213 = arith.addf %parallel_loop3A_209, %parallel_loop3A_212 : vector<16xf32>
      %parallel_loop3A_214 = arith.index_cast %parallel_loop3A_206 : i32 to index
      %parallel_loop3A_215 = tpu.vector_load %arg5[%parallel_loop3A_214] {strides = array<i32>} : memref<16384xf32, #tpu.memory_space<vmem>>, vector<16xf32>,
      %parallel_loop3A_216 = vector.shape_cast %parallel_loop3A_215 : vector<16xf32> to vector<16xf32>
      %parallel_loop3A_217 = vector.shape_cast %parallel_loop3A_213 : vector<16xf32> to vector<16xf32>
      tpu.vector_store %arg5[%parallel_loop3A_214], %parallel_loop3A_217 {strides = array<i32>} : memref<16384xf32, #tpu.memory_space<vmem>>, vector<16xf32>,
    } {sc.loop_unroll_factor = 8 : i64, sc.parallel_access}
    %add3A_41 = arith.constant 0 : i32
    %add3A_42 = arith.addi %add3A_41, %mul3A_6 : i32
    %add3A_43 = arith.constant 0 : i32
    %add3A_44 = arith.addi %add3A_42, %add3A_43 : i32
    %mul3A_45 = arith.constant 1024 : i32
    %mul3A_46 = arith.muli %add3A_44, %mul3A_45 : i32
    %dma_start3A_47 = tpu.memref_slice %arg4[%mul3A_46] : memref<4194304xf32, #tpu.memory_space<hbm>> -> memref<16384xf32, #tpu.memory_space<hbm>>
    %dma_start3A_48 = tpu.memref_slice %arg4[%mul3A_46] : memref<4194304xf32, #tpu.memory_space<hbm>> -> memref<16384xf32, #tpu.memory_space<hbm>>
    tpu.enqueue_dma source(%arg5 : memref<16384xf32, #tpu.memory_space<vmem>>) target(%dma_start3A_48 : memref<16384xf32, #tpu.memory_space<hbm>>) target_semaphore(%arg15 : memref<!tpu.dma_semaphore, #tpu.memory_space<semaphore_mem>>)
    %add3A_49 = arith.constant 24576 : i32
    %add3A_50 = arith.addi %add3A_49, %add3A_4 : i32
    %add3A_51 = arith.constant 0 : i32
    %add3A_52 = arith.addi %add3A_50, %add3A_51 : i32
    %mul3A_53 = arith.constant 1024 : i32
    %mul3A_54 = arith.muli %add3A_52, %mul3A_53 : i32
    %dma_start3A_55 = tpu.memref_slice %arg2[%mul3A_54] : memref<33554432xf32, #tpu.memory_space<hbm>> -> memref<16384xf32, #tpu.memory_space<hbm>>
    %dma_start3A_56 = tpu.memref_slice %arg2[%mul3A_54] : memref<33554432xf32, #tpu.memory_space<hbm>> -> memref<16384xf32, #tpu.memory_space<hbm>>
    tpu.enqueue_dma source(%dma_start3A_56 : memref<16384xf32, #tpu.memory_space<hbm>>) target(%arg8 : memref<16384xf32, #tpu.memory_space<vmem>>) target_semaphore(%arg14 : memref<!tpu.dma_semaphore, #tpu.memory_space<semaphore_mem>>)
    %dma_wait3A_57 = tpu.memref_slice %arg2[%mul3A_25] : memref<33554432xf32, #tpu.memory_space<hbm>> -> memref<16384xf32, #tpu.memory_space<hbm>>
    %dma_wait3A_58 = tpu.memref_slice %arg2[%mul3A_25] : memref<33554432xf32, #tpu.memory_space<hbm>> -> memref<16384xf32, #tpu.memory_space<hbm>>
    tpu.wait_dma2 semaphore(%arg12 : memref<!tpu.dma_semaphore, #tpu.memory_space<semaphore_mem>>) src(%dma_wait3A_58 : memref<16384xf32, #tpu.memory_space<hbm>>) dst(%arg6 : memref<16384xf32, #tpu.memory_space<vmem>>)
    %parallel_loop3A_59 = arith.constant 0 : i32
    %parallel_loop3A_60 = arith.constant 1024 : i32
    %parallel_loop3A_61 = arith.constant 1 : i32
    scf.for %parallel_loop3A_204 = %parallel_loop3A_59 to %parallel_loop3A_60 step %parallel_loop3A_61  : i32 {
      %parallel_loop3A_205 = arith.constant 16 : i32
      %parallel_loop3A_206 = arith.muli %parallel_loop3A_204, %parallel_loop3A_205 : i32
      %parallel_loop3A_207 = arith.index_cast %parallel_loop3A_206 : i32 to index
      %parallel_loop3A_208 = tpu.vector_load %arg6[%parallel_loop3A_207] {strides = array<i32>} : memref<16384xf32, #tpu.memory_space<vmem>>, vector<16xf32>,
      %parallel_loop3A_209 = vector.shape_cast %parallel_loop3A_208 : vector<16xf32> to vector<16xf32>
      %parallel_loop3A_210 = arith.index_cast %parallel_loop3A_206 : i32 to index
      %parallel_loop3A_211 = tpu.vector_load %arg9[%parallel_loop3A_210] {strides = array<i32>} : memref<16384xf32, #tpu.memory_space<vmem>>, vector<16xf32>,
      %parallel_loop3A_212 = vector.shape_cast %parallel_loop3A_211 : vector<16xf32> to vector<16xf32>
      %parallel_loop3A_213 = arith.addf %parallel_loop3A_209, %parallel_loop3A_212 : vector<16xf32>
      %parallel_loop3A_214 = arith.index_cast %parallel_loop3A_206 : i32 to index
      %parallel_loop3A_215 = tpu.vector_load %arg6[%parallel_loop3A_214] {strides = array<i32>} : memref<16384xf32, #tpu.memory_space<vmem>>, vector<16xf32>,
      %parallel_loop3A_216 = vector.shape_cast %parallel_loop3A_215 : vector<16xf32> to vector<16xf32>
      %parallel_loop3A_217 = vector.shape_cast %parallel_loop3A_213 : vector<16xf32> to vector<16xf32>
      tpu.vector_store %arg6[%parallel_loop3A_214], %parallel_loop3A_217 {strides = array<i32>} : memref<16384xf32, #tpu.memory_space<vmem>>, vector<16xf32>,
    } {sc.loop_unroll_factor = 8 : i64, sc.parallel_access}
    %add3A_62 = arith.constant 1024 : i32
    %add3A_63 = arith.addi %add3A_62, %mul3A_6 : i32
    %add3A_64 = arith.constant 0 : i32
    %add3A_65 = arith.addi %add3A_63, %add3A_64 : i32
    %mul3A_66 = arith.constant 1024 : i32
    %mul3A_67 = arith.muli %add3A_65, %mul3A_66 : i32
    %dma_start3A_68 = tpu.memref_slice %arg4[%mul3A_67] : memref<4194304xf32, #tpu.memory_space<hbm>> -> memref<16384xf32, #tpu.memory_space<hbm>>
    %dma_start3A_69 = tpu.memref_slice %arg4[%mul3A_67] : memref<4194304xf32, #tpu.memory_space<hbm>> -> memref<16384xf32, #tpu.memory_space<hbm>>
    tpu.enqueue_dma source(%arg6 : memref<16384xf32, #tpu.memory_space<vmem>>) target(%dma_start3A_69 : memref<16384xf32, #tpu.memory_space<hbm>>) target_semaphore(%arg16 : memref<!tpu.dma_semaphore, #tpu.memory_space<semaphore_mem>>)
    %dma_wait3A_70 = tpu.memref_slice %arg4[%mul3A_46] : memref<4194304xf32, #tpu.memory_space<hbm>> -> memref<16384xf32, #tpu.memory_space<hbm>>
    %dma_wait3A_71 = tpu.memref_slice %arg4[%mul3A_46] : memref<4194304xf32, #tpu.memory_space<hbm>> -> memref<16384xf32, #tpu.memory_space<hbm>>
    tpu.wait_dma2 semaphore(%arg15 : memref<!tpu.dma_semaphore, #tpu.memory_space<semaphore_mem>>) src(%arg5 : memref<16384xf32, #tpu.memory_space<vmem>>) dst(%dma_wait3A_71 : memref<16384xf32, #tpu.memory_space<hbm>>)
    %add3A_72 = arith.constant 0 : i32
    %add3A_73 = arith.addi %add3A_72, %add3A_4 : i32
    %add3A_74 = arith.constant 16 : i32
    %add3A_75 = arith.addi %add3A_73, %add3A_74 : i32
    %mul3A_76 = arith.constant 1024 : i32
    %mul3A_77 = arith.muli %add3A_75, %mul3A_76 : i32
    %dma_start3A_78 = tpu.memref_slice %arg2[%mul3A_77] : memref<33554432xf32, #tpu.memory_space<hbm>> -> memref<16384xf32, #tpu.memory_space<hbm>>
    %dma_start3A_79 = tpu.memref_slice %arg2[%mul3A_77] : memref<33554432xf32, #tpu.memory_space<hbm>> -> memref<16384xf32, #tpu.memory_space<hbm>>
    tpu.enqueue_dma source(%dma_start3A_79 : memref<16384xf32, #tpu.memory_space<hbm>>) target(%arg5 : memref<16384xf32, #tpu.memory_space<vmem>>) target_semaphore(%arg11 : memref<!tpu.dma_semaphore, #tpu.memory_space<semaphore_mem>>)
    %dma_wait3A_80 = tpu.memref_slice %arg2[%mul3A_33] : memref<33554432xf32, #tpu.memory_space<hbm>> -> memref<16384xf32, #tpu.memory_space<hbm>>
    %dma_wait3A_81 = tpu.memref_slice %arg2[%mul3A_33] : memref<33554432xf32, #tpu.memory_space<hbm>> -> memref<16384xf32, #tpu.memory_space<hbm>>
    tpu.wait_dma2 semaphore(%arg13 : memref<!tpu.dma_semaphore, #tpu.memory_space<semaphore_mem>>) src(%dma_wait3A_81 : memref<16384xf32, #tpu.memory_space<hbm>>) dst(%arg7 : memref<16384xf32, #tpu.memory_space<vmem>>)
    %parallel_loop3A_82 = arith.constant 0 : i32
    %parallel_loop3A_83 = arith.constant 1024 : i32
    %parallel_loop3A_84 = arith.constant 1 : i32
    scf.for %parallel_loop3A_204 = %parallel_loop3A_82 to %parallel_loop3A_83 step %parallel_loop3A_84  : i32 {
      %parallel_loop3A_205 = arith.constant 16 : i32
      %parallel_loop3A_206 = arith.muli %parallel_loop3A_204, %parallel_loop3A_205 : i32
      %parallel_loop3A_207 = arith.index_cast %parallel_loop3A_206 : i32 to index
      %parallel_loop3A_208 = tpu.vector_load %arg7[%parallel_loop3A_207] {strides = array<i32>} : memref<16384xf32, #tpu.memory_space<vmem>>, vector<16xf32>,
      %parallel_loop3A_209 = vector.shape_cast %parallel_loop3A_208 : vector<16xf32> to vector<16xf32>
      %parallel_loop3A_210 = arith.index_cast %parallel_loop3A_206 : i32 to index
      %parallel_loop3A_211 = tpu.vector_load %arg9[%parallel_loop3A_210] {strides = array<i32>} : memref<16384xf32, #tpu.memory_space<vmem>>, vector<16xf32>,
      %parallel_loop3A_212 = vector.shape_cast %parallel_loop3A_211 : vector<16xf32> to vector<16xf32>
      %parallel_loop3A_213 = arith.addf %parallel_loop3A_209, %parallel_loop3A_212 : vector<16xf32>
      %parallel_loop3A_214 = arith.index_cast %parallel_loop3A_206 : i32 to index
      %parallel_loop3A_215 = tpu.vector_load %arg7[%parallel_loop3A_214] {strides = array<i32>} : memref<16384xf32, #tpu.memory_space<vmem>>, vector<16xf32>,
      %parallel_loop3A_216 = vector.shape_cast %parallel_loop3A_215 : vector<16xf32> to vector<16xf32>
      %parallel_loop3A_217 = vector.shape_cast %parallel_loop3A_213 : vector<16xf32> to vector<16xf32>
      tpu.vector_store %arg7[%parallel_loop3A_214], %parallel_loop3A_217 {strides = array<i32>} : memref<16384xf32, #tpu.memory_space<vmem>>, vector<16xf32>,
    } {sc.loop_unroll_factor = 8 : i64, sc.parallel_access}
    %add3A_85 = arith.constant 2048 : i32
    %add3A_86 = arith.addi %add3A_85, %mul3A_6 : i32
    %add3A_87 = arith.constant 0 : i32
    %add3A_88 = arith.addi %add3A_86, %add3A_87 : i32
    %mul3A_89 = arith.constant 1024 : i32
    %mul3A_90 = arith.muli %add3A_88, %mul3A_89 : i32
    %dma_start3A_91 = tpu.memref_slice %arg4[%mul3A_90] : memref<4194304xf32, #tpu.memory_space<hbm>> -> memref<16384xf32, #tpu.memory_space<hbm>>
    %dma_start3A_92 = tpu.memref_slice %arg4[%mul3A_90] : memref<4194304xf32, #tpu.memory_space<hbm>> -> memref<16384xf32, #tpu.memory_space<hbm>>
    tpu.enqueue_dma source(%arg7 : memref<16384xf32, #tpu.memory_space<vmem>>) target(%dma_start3A_92 : memref<16384xf32, #tpu.memory_space<hbm>>) target_semaphore(%arg17 : memref<!tpu.dma_semaphore, #tpu.memory_space<semaphore_mem>>)
    %dma_wait3A_93 = tpu.memref_slice %arg4[%mul3A_67] : memref<4194304xf32, #tpu.memory_space<hbm>> -> memref<16384xf32, #tpu.memory_space<hbm>>
    %dma_wait3A_94 = tpu.memref_slice %arg4[%mul3A_67] : memref<4194304xf32, #tpu.memory_space<hbm>> -> memref<16384xf32, #tpu.memory_space<hbm>>
    tpu.wait_dma2 semaphore(%arg16 : memref<!tpu.dma_semaphore, #tpu.memory_space<semaphore_mem>>) src(%arg6 : memref<16384xf32, #tpu.memory_space<vmem>>) dst(%dma_wait3A_94 : memref<16384xf32, #tpu.memory_space<hbm>>)
    %add3A_95 = arith.constant 8192 : i32
    %add3A_96 = arith.addi %add3A_95, %add3A_4 : i32
    %add3A_97 = arith.constant 16 : i32
    %add3A_98 = arith.addi %add3A_96, %add3A_97 : i32
    %mul3A_99 = arith.constant 1024 : i32
    %mul3A_100 = arith.muli %add3A_98, %mul3A_99 : i32
    %dma_start3A_101 = tpu.memref_slice %arg2[%mul3A_100] : memref<33554432xf32, #tpu.memory_space<hbm>> -> memref<16384xf32, #tpu.memory_space<hbm>>
    %dma_start3A_102 = tpu.memref_slice %arg2[%mul3A_100] : memref<33554432xf32, #tpu.memory_space<hbm>> -> memref<16384xf32, #tpu.memory_space<hbm>>
    tpu.enqueue_dma source(%dma_start3A_102 : memref<16384xf32, #tpu.memory_space<hbm>>) target(%arg6 : memref<16384xf32, #tpu.memory_space<vmem>>) target_semaphore(%arg12 : memref<!tpu.dma_semaphore, #tpu.memory_space<semaphore_mem>>)
    %add3A_103 = arith.constant 16 : i32
    %add3A_104 = arith.addi %add3A_4, %add3A_103 : i32
    %mul3A_105 = arith.constant 1024 : i32
    %mul3A_106 = arith.muli %add3A_104, %mul3A_105 : i32
    %dma_start3A_107 = tpu.memref_slice %arg3[%mul3A_106] : memref<8388608xf32, #tpu.memory_space<hbm>> -> memref<16384xf32, #tpu.memory_space<hbm>>
    %dma_start3A_108 = tpu.memref_slice %arg3[%mul3A_106] : memref<8388608xf32, #tpu.memory_space<hbm>> -> memref<16384xf32, #tpu.memory_space<hbm>>
    tpu.enqueue_dma source(%dma_start3A_108 : memref<16384xf32, #tpu.memory_space<hbm>>) target(%arg10 : memref<16384xf32, #tpu.memory_space<vmem>>) target_semaphore(%arg20 : memref<!tpu.dma_semaphore, #tpu.memory_space<semaphore_mem>>)
    %dma_wait3A_109 = tpu.memref_slice %arg2[%mul3A_54] : memref<33554432xf32, #tpu.memory_space<hbm>> -> memref<16384xf32, #tpu.memory_space<hbm>>
    %dma_wait3A_110 = tpu.memref_slice %arg2[%mul3A_54] : memref<33554432xf32, #tpu.memory_space<hbm>> -> memref<16384xf32, #tpu.memory_space<hbm>>
    tpu.wait_dma2 semaphore(%arg14 : memref<!tpu.dma_semaphore, #tpu.memory_space<semaphore_mem>>) src(%dma_wait3A_110 : memref<16384xf32, #tpu.memory_space<hbm>>) dst(%arg8 : memref<16384xf32, #tpu.memory_space<vmem>>)
    %parallel_loop3A_111 = arith.constant 0 : i32
    %parallel_loop3A_112 = arith.constant 1024 : i32
    %parallel_loop3A_113 = arith.constant 1 : i32
    scf.for %parallel_loop3A_204 = %parallel_loop3A_111 to %parallel_loop3A_112 step %parallel_loop3A_113  : i32 {
      %parallel_loop3A_205 = arith.constant 16 : i32
      %parallel_loop3A_206 = arith.muli %parallel_loop3A_204, %parallel_loop3A_205 : i32
      %parallel_loop3A_207 = arith.index_cast %parallel_loop3A_206 : i32 to index
      %parallel_loop3A_208 = tpu.vector_load %arg8[%parallel_loop3A_207] {strides = array<i32>} : memref<16384xf32, #tpu.memory_space<vmem>>, vector<16xf32>,
      %parallel_loop3A_209 = vector.shape_cast %parallel_loop3A_208 : vector<16xf32> to vector<16xf32>
      %parallel_loop3A_210 = arith.index_cast %parallel_loop3A_206 : i32 to index
      %parallel_loop3A_211 = tpu.vector_load %arg9[%parallel_loop3A_210] {strides = array<i32>} : memref<16384xf32, #tpu.memory_space<vmem>>, vector<16xf32>,
      %parallel_loop3A_212 = vector.shape_cast %parallel_loop3A_211 : vector<16xf32> to vector<16xf32>
      %parallel_loop3A_213 = arith.addf %parallel_loop3A_209, %parallel_loop3A_212 : vector<16xf32>
      %parallel_loop3A_214 = arith.index_cast %parallel_loop3A_206 : i32 to index
      %parallel_loop3A_215 = tpu.vector_load %arg8[%parallel_loop3A_214] {strides = array<i32>} : memref<16384xf32, #tpu.memory_space<vmem>>, vector<16xf32>,
      %parallel_loop3A_216 = vector.shape_cast %parallel_loop3A_215 : vector<16xf32> to vector<16xf32>
      %parallel_loop3A_217 = vector.shape_cast %parallel_loop3A_213 : vector<16xf32> to vector<16xf32>
      tpu.vector_store %arg8[%parallel_loop3A_214], %parallel_loop3A_217 {strides = array<i32>} : memref<16384xf32, #tpu.memory_space<vmem>>, vector<16xf32>,
    } {sc.loop_unroll_factor = 8 : i64, sc.parallel_access}
    %add3A_114 = arith.constant 3072 : i32
    %add3A_115 = arith.addi %add3A_114, %mul3A_6 : i32
    %add3A_116 = arith.constant 0 : i32
    %add3A_117 = arith.addi %add3A_115, %add3A_116 : i32
    %mul3A_118 = arith.constant 1024 : i32
    %mul3A_119 = arith.muli %add3A_117, %mul3A_118 : i32
    %dma_start3A_120 = tpu.memref_slice %arg4[%mul3A_119] : memref<4194304xf32, #tpu.memory_space<hbm>> -> memref<16384xf32, #tpu.memory_space<hbm>>
    %dma_start3A_121 = tpu.memref_slice %arg4[%mul3A_119] : memref<4194304xf32, #tpu.memory_space<hbm>> -> memref<16384xf32, #tpu.memory_space<hbm>>
    tpu.enqueue_dma source(%arg8 : memref<16384xf32, #tpu.memory_space<vmem>>) target(%dma_start3A_121 : memref<16384xf32, #tpu.memory_space<hbm>>) target_semaphore(%arg18 : memref<!tpu.dma_semaphore, #tpu.memory_space<semaphore_mem>>)
    %dma_wait3A_122 = tpu.memref_slice %arg4[%mul3A_90] : memref<4194304xf32, #tpu.memory_space<hbm>> -> memref<16384xf32, #tpu.memory_space<hbm>>
    %dma_wait3A_123 = tpu.memref_slice %arg4[%mul3A_90] : memref<4194304xf32, #tpu.memory_space<hbm>> -> memref<16384xf32, #tpu.memory_space<hbm>>
    tpu.wait_dma2 semaphore(%arg17 : memref<!tpu.dma_semaphore, #tpu.memory_space<semaphore_mem>>) src(%arg7 : memref<16384xf32, #tpu.memory_space<vmem>>) dst(%dma_wait3A_123 : memref<16384xf32, #tpu.memory_space<hbm>>)
    %add3A_124 = arith.constant 16384 : i32
    %add3A_125 = arith.addi %add3A_124, %add3A_4 : i32
    %add3A_126 = arith.constant 16 : i32
    %add3A_127 = arith.addi %add3A_125, %add3A_126 : i32
    %mul3A_128 = arith.constant 1024 : i32
    %mul3A_129 = arith.muli %add3A_127, %mul3A_128 : i32
    %dma_start3A_130 = tpu.memref_slice %arg2[%mul3A_129] : memref<33554432xf32, #tpu.memory_space<hbm>> -> memref<16384xf32, #tpu.memory_space<hbm>>
    %dma_start3A_131 = tpu.memref_slice %arg2[%mul3A_129] : memref<33554432xf32, #tpu.memory_space<hbm>> -> memref<16384xf32, #tpu.memory_space<hbm>>
    tpu.enqueue_dma source(%dma_start3A_131 : memref<16384xf32, #tpu.memory_space<hbm>>) target(%arg7 : memref<16384xf32, #tpu.memory_space<vmem>>) target_semaphore(%arg13 : memref<!tpu.dma_semaphore, #tpu.memory_space<semaphore_mem>>)
    %dma_wait3A_132 = tpu.memref_slice %arg2[%mul3A_77] : memref<33554432xf32, #tpu.memory_space<hbm>> -> memref<16384xf32, #tpu.memory_space<hbm>>
    %dma_wait3A_133 = tpu.memref_slice %arg2[%mul3A_77] : memref<33554432xf32, #tpu.memory_space<hbm>> -> memref<16384xf32, #tpu.memory_space<hbm>>
    tpu.wait_dma2 semaphore(%arg11 : memref<!tpu.dma_semaphore, #tpu.memory_space<semaphore_mem>>) src(%dma_wait3A_133 : memref<16384xf32, #tpu.memory_space<hbm>>) dst(%arg5 : memref<16384xf32, #tpu.memory_space<vmem>>)
    %dma_wait3A_134 = tpu.memref_slice %arg3[%mul3A_106] : memref<8388608xf32, #tpu.memory_space<hbm>> -> memref<16384xf32, #tpu.memory_space<hbm>>
    %dma_wait3A_135 = tpu.memref_slice %arg3[%mul3A_106] : memref<8388608xf32, #tpu.memory_space<hbm>> -> memref<16384xf32, #tpu.memory_space<hbm>>
    tpu.wait_dma2 semaphore(%arg20 : memref<!tpu.dma_semaphore, #tpu.memory_space<semaphore_mem>>) src(%dma_wait3A_135 : memref<16384xf32, #tpu.memory_space<hbm>>) dst(%arg10 : memref<16384xf32, #tpu.memory_space<vmem>>)
    %parallel_loop3A_136 = arith.constant 0 : i32
    %parallel_loop3A_137 = arith.constant 1024 : i32
    %parallel_loop3A_138 = arith.constant 1 : i32
    scf.for %parallel_loop3A_204 = %parallel_loop3A_136 to %parallel_loop3A_137 step %parallel_loop3A_138  : i32 {
      %parallel_loop3A_205 = arith.constant 16 : i32
      %parallel_loop3A_206 = arith.muli %parallel_loop3A_204, %parallel_loop3A_205 : i32
      %parallel_loop3A_207 = arith.index_cast %parallel_loop3A_206 : i32 to index
      %parallel_loop3A_208 = tpu.vector_load %arg5[%parallel_loop3A_207] {strides = array<i32>} : memref<16384xf32, #tpu.memory_space<vmem>>, vector<16xf32>,
      %parallel_loop3A_209 = vector.shape_cast %parallel_loop3A_208 : vector<16xf32> to vector<16xf32>
      %parallel_loop3A_210 = arith.index_cast %parallel_loop3A_206 : i32 to index
      %parallel_loop3A_211 = tpu.vector_load %arg10[%parallel_loop3A_210] {strides = array<i32>} : memref<16384xf32, #tpu.memory_space<vmem>>, vector<16xf32>,
      %parallel_loop3A_212 = vector.shape_cast %parallel_loop3A_211 : vector<16xf32> to vector<16xf32>
      %parallel_loop3A_213 = arith.addf %parallel_loop3A_209, %parallel_loop3A_212 : vector<16xf32>
      %parallel_loop3A_214 = arith.index_cast %parallel_loop3A_206 : i32 to index
      %parallel_loop3A_215 = tpu.vector_load %arg5[%parallel_loop3A_214] {strides = array<i32>} : memref<16384xf32, #tpu.memory_space<vmem>>, vector<16xf32>,
      %parallel_loop3A_216 = vector.shape_cast %parallel_loop3A_215 : vector<16xf32> to vector<16xf32>
      %parallel_loop3A_217 = vector.shape_cast %parallel_loop3A_213 : vector<16xf32> to vector<16xf32>
      tpu.vector_store %arg5[%parallel_loop3A_214], %parallel_loop3A_217 {strides = array<i32>} : memref<16384xf32, #tpu.memory_space<vmem>>, vector<16xf32>,
    } {sc.loop_unroll_factor = 8 : i64, sc.parallel_access}
    %add3A_139 = arith.constant 0 : i32
    %add3A_140 = arith.addi %add3A_139, %mul3A_6 : i32
    %add3A_141 = arith.constant 16 : i32
    %add3A_142 = arith.addi %add3A_140, %add3A_141 : i32
    %mul3A_143 = arith.constant 1024 : i32
    %mul3A_144 = arith.muli %add3A_142, %mul3A_143 : i32
    %dma_start3A_145 = tpu.memref_slice %arg4[%mul3A_144] : memref<4194304xf32, #tpu.memory_space<hbm>> -> memref<16384xf32, #tpu.memory_space<hbm>>
    %dma_start3A_146 = tpu.memref_slice %arg4[%mul3A_144] : memref<4194304xf32, #tpu.memory_space<hbm>> -> memref<16384xf32, #tpu.memory_space<hbm>>
    tpu.enqueue_dma source(%arg5 : memref<16384xf32, #tpu.memory_space<vmem>>) target(%dma_start3A_146 : memref<16384xf32, #tpu.memory_space<hbm>>) target_semaphore(%arg15 : memref<!tpu.dma_semaphore, #tpu.memory_space<semaphore_mem>>)
    %dma_wait3A_147 = tpu.memref_slice %arg4[%mul3A_119] : memref<4194304xf32, #tpu.memory_space<hbm>> -> memref<16384xf32, #tpu.memory_space<hbm>>
    %dma_wait3A_148 = tpu.memref_slice %arg4[%mul3A_119] : memref<4194304xf32, #tpu.memory_space<hbm>> -> memref<16384xf32, #tpu.memory_space<hbm>>
    tpu.wait_dma2 semaphore(%arg18 : memref<!tpu.dma_semaphore, #tpu.memory_space<semaphore_mem>>) src(%arg8 : memref<16384xf32, #tpu.memory_space<vmem>>) dst(%dma_wait3A_148 : memref<16384xf32, #tpu.memory_space<hbm>>)
    %add3A_149 = arith.constant 24576 : i32
    %add3A_150 = arith.addi %add3A_149, %add3A_4 : i32
    %add3A_151 = arith.constant 16 : i32
    %add3A_152 = arith.addi %add3A_150, %add3A_151 : i32
    %mul3A_153 = arith.constant 1024 : i32
    %mul3A_154 = arith.muli %add3A_152, %mul3A_153 : i32
    %dma_start3A_155 = tpu.memref_slice %arg2[%mul3A_154] : memref<33554432xf32, #tpu.memory_space<hbm>> -> memref<16384xf32, #tpu.memory_space<hbm>>
    %dma_start3A_156 = tpu.memref_slice %arg2[%mul3A_154] : memref<33554432xf32, #tpu.memory_space<hbm>> -> memref<16384xf32, #tpu.memory_space<hbm>>
    tpu.enqueue_dma source(%dma_start3A_156 : memref<16384xf32, #tpu.memory_space<hbm>>) target(%arg8 : memref<16384xf32, #tpu.memory_space<vmem>>) target_semaphore(%arg14 : memref<!tpu.dma_semaphore, #tpu.memory_space<semaphore_mem>>)
    %dma_wait3A_157 = tpu.memref_slice %arg2[%mul3A_100] : memref<33554432xf32, #tpu.memory_space<hbm>> -> memref<16384xf32, #tpu.memory_space<hbm>>
    %dma_wait3A_158 = tpu.memref_slice %arg2[%mul3A_100] : memref<33554432xf32, #tpu.memory_space<hbm>> -> memref<16384xf32, #tpu.memory_space<hbm>>
    tpu.wait_dma2 semaphore(%arg12 : memref<!tpu.dma_semaphore, #tpu.memory_space<semaphore_mem>>) src(%dma_wait3A_158 : memref<16384xf32, #tpu.memory_space<hbm>>) dst(%arg6 : memref<16384xf32, #tpu.memory_space<vmem>>)
    %parallel_loop3A_159 = arith.constant 0 : i32
    %parallel_loop3A_160 = arith.constant 1024 : i32
    %parallel_loop3A_161 = arith.constant 1 : i32
    scf.for %parallel_loop3A_204 = %parallel_loop3A_159 to %parallel_loop3A_160 step %parallel_loop3A_161  : i32 {
      %parallel_loop3A_205 = arith.constant 16 : i32
      %parallel_loop3A_206 = arith.muli %parallel_loop3A_204, %parallel_loop3A_205 : i32
      %parallel_loop3A_207 = arith.index_cast %parallel_loop3A_206 : i32 to index
      %parallel_loop3A_208 = tpu.vector_load %arg6[%parallel_loop3A_207] {strides = array<i32>} : memref<16384xf32, #tpu.memory_space<vmem>>, vector<16xf32>,
      %parallel_loop3A_209 = vector.shape_cast %parallel_loop3A_208 : vector<16xf32> to vector<16xf32>
      %parallel_loop3A_210 = arith.index_cast %parallel_loop3A_206 : i32 to index
      %parallel_loop3A_211 = tpu.vector_load %arg10[%parallel_loop3A_210] {strides = array<i32>} : memref<16384xf32, #tpu.memory_space<vmem>>, vector<16xf32>,
      %parallel_loop3A_212 = vector.shape_cast %parallel_loop3A_211 : vector<16xf32> to vector<16xf32>
      %parallel_loop3A_213 = arith.addf %parallel_loop3A_209, %parallel_loop3A_212 : vector<16xf32>
      %parallel_loop3A_214 = arith.index_cast %parallel_loop3A_206 : i32 to index
      %parallel_loop3A_215 = tpu.vector_load %arg6[%parallel_loop3A_214] {strides = array<i32>} : memref<16384xf32, #tpu.memory_space<vmem>>, vector<16xf32>,
      %parallel_loop3A_216 = vector.shape_cast %parallel_loop3A_215 : vector<16xf32> to vector<16xf32>
      %parallel_loop3A_217 = vector.shape_cast %parallel_loop3A_213 : vector<16xf32> to vector<16xf32>
      tpu.vector_store %arg6[%parallel_loop3A_214], %parallel_loop3A_217 {strides = array<i32>} : memref<16384xf32, #tpu.memory_space<vmem>>, vector<16xf32>,
    } {sc.loop_unroll_factor = 8 : i64, sc.parallel_access}
    %add3A_162 = arith.constant 1024 : i32
    %add3A_163 = arith.addi %add3A_162, %mul3A_6 : i32
    %add3A_164 = arith.constant 16 : i32
    %add3A_165 = arith.addi %add3A_163, %add3A_164 : i32
    %mul3A_166 = arith.constant 1024 : i32
    %mul3A_167 = arith.muli %add3A_165, %mul3A_166 : i32
    %dma_start3A_168 = tpu.memref_slice %arg4[%mul3A_167] : memref<4194304xf32, #tpu.memory_space<hbm>> -> memref<16384xf32, #tpu.memory_space<hbm>>
    %dma_start3A_169 = tpu.memref_slice %arg4[%mul3A_167] : memref<4194304xf32, #tpu.memory_space<hbm>> -> memref<16384xf32, #tpu.memory_space<hbm>>
    tpu.enqueue_dma source(%arg6 : memref<16384xf32, #tpu.memory_space<vmem>>) target(%dma_start3A_169 : memref<16384xf32, #tpu.memory_space<hbm>>) target_semaphore(%arg16 : memref<!tpu.dma_semaphore, #tpu.memory_space<semaphore_mem>>)
    %dma_wait3A_170 = tpu.memref_slice %arg2[%mul3A_129] : memref<33554432xf32, #tpu.memory_space<hbm>> -> memref<16384xf32, #tpu.memory_space<hbm>>
    %dma_wait3A_171 = tpu.memref_slice %arg2[%mul3A_129] : memref<33554432xf32, #tpu.memory_space<hbm>> -> memref<16384xf32, #tpu.memory_space<hbm>>
    tpu.wait_dma2 semaphore(%arg13 : memref<!tpu.dma_semaphore, #tpu.memory_space<semaphore_mem>>) src(%dma_wait3A_171 : memref<16384xf32, #tpu.memory_space<hbm>>) dst(%arg7 : memref<16384xf32, #tpu.memory_space<vmem>>)
    %parallel_loop3A_172 = arith.constant 0 : i32
    %parallel_loop3A_173 = arith.constant 1024 : i32
    %parallel_loop3A_174 = arith.constant 1 : i32
    scf.for %parallel_loop3A_204 = %parallel_loop3A_172 to %parallel_loop3A_173 step %parallel_loop3A_174  : i32 {
      %parallel_loop3A_205 = arith.constant 16 : i32
      %parallel_loop3A_206 = arith.muli %parallel_loop3A_204, %parallel_loop3A_205 : i32
      %parallel_loop3A_207 = arith.index_cast %parallel_loop3A_206 : i32 to index
      %parallel_loop3A_208 = tpu.vector_load %arg7[%parallel_loop3A_207] {strides = array<i32>} : memref<16384xf32, #tpu.memory_space<vmem>>, vector<16xf32>,
      %parallel_loop3A_209 = vector.shape_cast %parallel_loop3A_208 : vector<16xf32> to vector<16xf32>
      %parallel_loop3A_210 = arith.index_cast %parallel_loop3A_206 : i32 to index
      %parallel_loop3A_211 = tpu.vector_load %arg10[%parallel_loop3A_210] {strides = array<i32>} : memref<16384xf32, #tpu.memory_space<vmem>>, vector<16xf32>,
      %parallel_loop3A_212 = vector.shape_cast %parallel_loop3A_211 : vector<16xf32> to vector<16xf32>
      %parallel_loop3A_213 = arith.addf %parallel_loop3A_209, %parallel_loop3A_212 : vector<16xf32>
      %parallel_loop3A_214 = arith.index_cast %parallel_loop3A_206 : i32 to index
      %parallel_loop3A_215 = tpu.vector_load %arg7[%parallel_loop3A_214] {strides = array<i32>} : memref<16384xf32, #tpu.memory_space<vmem>>, vector<16xf32>,
      %parallel_loop3A_216 = vector.shape_cast %parallel_loop3A_215 : vector<16xf32> to vector<16xf32>
      %parallel_loop3A_217 = vector.shape_cast %parallel_loop3A_213 : vector<16xf32> to vector<16xf32>
      tpu.vector_store %arg7[%parallel_loop3A_214], %parallel_loop3A_217 {strides = array<i32>} : memref<16384xf32, #tpu.memory_space<vmem>>, vector<16xf32>,
    } {sc.loop_unroll_factor = 8 : i64, sc.parallel_access}
    %add3A_175 = arith.constant 2048 : i32
    %add3A_176 = arith.addi %add3A_175, %mul3A_6 : i32
    %add3A_177 = arith.constant 16 : i32
    %add3A_178 = arith.addi %add3A_176, %add3A_177 : i32
    %mul3A_179 = arith.constant 1024 : i32
    %mul3A_180 = arith.muli %add3A_178, %mul3A_179 : i32
    %dma_start3A_181 = tpu.memref_slice %arg4[%mul3A_180] : memref<4194304xf32, #tpu.memory_space<hbm>> -> memref<16384xf32, #tpu.memory_space<hbm>>
    %dma_start3A_182 = tpu.memref_slice %arg4[%mul3A_180] : memref<4194304xf32, #tpu.memory_space<hbm>> -> memref<16384xf32, #tpu.memory_space<hbm>>
    tpu.enqueue_dma source(%arg7 : memref<16384xf32, #tpu.memory_space<vmem>>) target(%dma_start3A_182 : memref<16384xf32, #tpu.memory_space<hbm>>) target_semaphore(%arg17 : memref<!tpu.dma_semaphore, #tpu.memory_space<semaphore_mem>>)
    %dma_wait3A_183 = tpu.memref_slice %arg2[%mul3A_154] : memref<33554432xf32, #tpu.memory_space<hbm>> -> memref<16384xf32, #tpu.memory_space<hbm>>
    %dma_wait3A_184 = tpu.memref_slice %arg2[%mul3A_154] : memref<33554432xf32, #tpu.memory_space<hbm>> -> memref<16384xf32, #tpu.memory_space<hbm>>
    tpu.wait_dma2 semaphore(%arg14 : memref<!tpu.dma_semaphore, #tpu.memory_space<semaphore_mem>>) src(%dma_wait3A_184 : memref<16384xf32, #tpu.memory_space<hbm>>) dst(%arg8 : memref<16384xf32, #tpu.memory_space<vmem>>)
    %parallel_loop3A_185 = arith.constant 0 : i32
    %parallel_loop3A_186 = arith.constant 1024 : i32
    %parallel_loop3A_187 = arith.constant 1 : i32
    scf.for %parallel_loop3A_204 = %parallel_loop3A_185 to %parallel_loop3A_186 step %parallel_loop3A_187  : i32 {
      %parallel_loop3A_205 = arith.constant 16 : i32
      %parallel_loop3A_206 = arith.muli %parallel_loop3A_204, %parallel_loop3A_205 : i32
      %parallel_loop3A_207 = arith.index_cast %parallel_loop3A_206 : i32 to index
      %parallel_loop3A_208 = tpu.vector_load %arg8[%parallel_loop3A_207] {strides = array<i32>} : memref<16384xf32, #tpu.memory_space<vmem>>, vector<16xf32>,
      %parallel_loop3A_209 = vector.shape_cast %parallel_loop3A_208 : vector<16xf32> to vector<16xf32>
      %parallel_loop3A_210 = arith.index_cast %parallel_loop3A_206 : i32 to index
      %parallel_loop3A_211 = tpu.vector_load %arg10[%parallel_loop3A_210] {strides = array<i32>} : memref<16384xf32, #tpu.memory_space<vmem>>, vector<16xf32>,
      %parallel_loop3A_212 = vector.shape_cast %parallel_loop3A_211 : vector<16xf32> to vector<16xf32>
      %parallel_loop3A_213 = arith.addf %parallel_loop3A_209, %parallel_loop3A_212 : vector<16xf32>
      %parallel_loop3A_214 = arith.index_cast %parallel_loop3A_206 : i32 to index
      %parallel_loop3A_215 = tpu.vector_load %arg8[%parallel_loop3A_214] {strides = array<i32>} : memref<16384xf32, #tpu.memory_space<vmem>>, vector<16xf32>,
      %parallel_loop3A_216 = vector.shape_cast %parallel_loop3A_215 : vector<16xf32> to vector<16xf32>
      %parallel_loop3A_217 = vector.shape_cast %parallel_loop3A_213 : vector<16xf32> to vector<16xf32>
      tpu.vector_store %arg8[%parallel_loop3A_214], %parallel_loop3A_217 {strides = array<i32>} : memref<16384xf32, #tpu.memory_space<vmem>>, vector<16xf32>,
    } {sc.loop_unroll_factor = 8 : i64, sc.parallel_access}
    %add3A_188 = arith.constant 3072 : i32
    %add3A_189 = arith.addi %add3A_188, %mul3A_6 : i32
    %add3A_190 = arith.constant 16 : i32
    %add3A_191 = arith.addi %add3A_189, %add3A_190 : i32
    %mul3A_192 = arith.constant 1024 : i32
    %mul3A_193 = arith.muli %add3A_191, %mul3A_192 : i32
    %dma_start3A_194 = tpu.memref_slice %arg4[%mul3A_193] : memref<4194304xf32, #tpu.memory_space<hbm>> -> memref<16384xf32, #tpu.memory_space<hbm>>
    %dma_start3A_195 = tpu.memref_slice %arg4[%mul3A_193] : memref<4194304xf32, #tpu.memory_space<hbm>> -> memref<16384xf32, #tpu.memory_space<hbm>>
    tpu.enqueue_dma source(%arg8 : memref<16384xf32, #tpu.memory_space<vmem>>) target(%dma_start3A_195 : memref<16384xf32, #tpu.memory_space<hbm>>) target_semaphore(%arg18 : memref<!tpu.dma_semaphore, #tpu.memory_space<semaphore_mem>>)
    %dma_wait3A_196 = tpu.memref_slice %arg4[%mul3A_144] : memref<4194304xf32, #tpu.memory_space<hbm>> -> memref<16384xf32, #tpu.memory_space<hbm>>
    %dma_wait3A_197 = tpu.memref_slice %arg4[%mul3A_144] : memref<4194304xf32, #tpu.memory_space<hbm>> -> memref<16384xf32, #tpu.memory_space<hbm>>
    tpu.wait_dma2 semaphore(%arg15 : memref<!tpu.dma_semaphore, #tpu.memory_space<semaphore_mem>>) src(%arg5 : memref<16384xf32, #tpu.memory_space<vmem>>) dst(%dma_wait3A_197 : memref<16384xf32, #tpu.memory_space<hbm>>)
    %dma_wait3A_198 = tpu.memref_slice %arg4[%mul3A_167] : memref<4194304xf32, #tpu.memory_space<hbm>> -> memref<16384xf32, #tpu.memory_space<hbm>>
    %dma_wait3A_199 = tpu.memref_slice %arg4[%mul3A_167] : memref<4194304xf32, #tpu.memory_space<hbm>> -> memref<16384xf32, #tpu.memory_space<hbm>>
    tpu.wait_dma2 semaphore(%arg16 : memref<!tpu.dma_semaphore, #tpu.memory_space<semaphore_mem>>) src(%arg6 : memref<16384xf32, #tpu.memory_space<vmem>>) dst(%dma_wait3A_199 : memref<16384xf32, #tpu.memory_space<hbm>>)
    %dma_wait3A_200 = tpu.memref_slice %arg4[%mul3A_180] : memref<4194304xf32, #tpu.memory_space<hbm>> -> memref<16384xf32, #tpu.memory_space<hbm>>
    %dma_wait3A_201 = tpu.memref_slice %arg4[%mul3A_180] : memref<4194304xf32, #tpu.memory_space<hbm>> -> memref<16384xf32, #tpu.memory_space<hbm>>
    tpu.wait_dma2 semaphore(%arg17 : memref<!tpu.dma_semaphore, #tpu.memory_space<semaphore_mem>>) src(%arg7 : memref<16384xf32, #tpu.memory_space<vmem>>) dst(%dma_wait3A_201 : memref<16384xf32, #tpu.memory_space<hbm>>)
    %dma_wait3A_202 = tpu.memref_slice %arg4[%mul3A_193] : memref<4194304xf32, #tpu.memory_space<hbm>> -> memref<16384xf32, #tpu.memory_space<hbm>>
    %dma_wait3A_203 = tpu.memref_slice %arg4[%mul3A_193] : memref<4194304xf32, #tpu.memory_space<hbm>> -> memref<16384xf32, #tpu.memory_space<hbm>>
    tpu.wait_dma2 semaphore(%arg18 : memref<!tpu.dma_semaphore, #tpu.memory_space<semaphore_mem>>) src(%arg8 : memref<16384xf32, #tpu.memory_space<vmem>>) dst(%dma_wait3A_203 : memref<16384xf32, #tpu.memory_space<hbm>>)
    return
  }
}

module attributes {stable_mosaic.version = 14 : i64} {
  func.func @_tc_body(%arg0: i32, %arg1: i32, %arg2: memref<1x1024x1024xf32, #tpu.memory_space<vmem>>, %arg3: memref<1024x1024xf32, #tpu.memory_space<vmem>>, %arg4: memref<1x1024x1024xf32, #tpu.memory_space<vmem>>) attributes {dimension_semantics = [#tpu.dimension_semantics<arbitrary>, #tpu.dimension_semantics<arbitrary>], iteration_bounds = array<i64: 7, 4>, scalar_prefetch = 0 : i64, scratch_operands = 0 : i64, tpu.core_type = #tpu.core_type<tc>, window_params = [{transform_indices = @transform_0, window_bounds = array<i64: 1, 1024, 1024>}, {transform_indices = @transform_1, window_bounds = array<i64: 1024, 1024>}, {transform_indices = @transform_2, window_bounds = array<i64: 1, 1024, 1024>}]} {
    %get3A = arith.constant 0 : index
    %get3A_0 = arith.constant 0 : index
    %get3A_1 = arith.constant 0 : index
    %get3A_2 = vector.load %arg2[%get3A, %get3A_0, %get3A_1] : memref<1x1024x1024xf32, #tpu.memory_space<vmem>>, vector<1x1024x1024xf32>
    %get3A_3 = arith.constant 0 : index
    %get3A_4 = arith.constant 0 : index
    %get3A_5 = vector.load %arg3[%get3A_3, %get3A_4] : memref<1024x1024xf32, #tpu.memory_space<vmem>>, vector<1024x1024xf32>
    %broadcast_in_dim3A = vector.shape_cast %get3A_5 : vector<1024x1024xf32> to vector<1x1024x1024xf32>
    %add3A = arith.addf %get3A_2, %broadcast_in_dim3A : vector<1x1024x1024xf32>
    %swap3A = arith.constant 0 : index
    %swap3A_6 = arith.constant 0 : index
    %swap3A_7 = arith.constant 0 : index
    %swap3A_8 = vector.load %arg4[%swap3A, %swap3A_6, %swap3A_7] : memref<1x1024x1024xf32, #tpu.memory_space<vmem>>, vector<1x1024x1024xf32>
    tpu.vector_store %arg4[%swap3A, %swap3A_6, %swap3A_7], %add3A {strides = array<i32>} : memref<1x1024x1024xf32, #tpu.memory_space<vmem>>, vector<1x1024x1024xf32>,
    return
  }
  func.func @transform_0(%arg0: i32, %arg1: i32) -> (i32, i32, i32) {
    %c0_i32 = arith.constant 0 : i32
    %c0_i32_0 = arith.constant 0 : i32
    return %arg1, %arg0, %c0_i32 : i32, i32, i32
  }
  func.func @transform_1(%arg0: i32, %arg1: i32) -> (i32, i32) {
    %c0_i32 = arith.constant 0 : i32
    %c0_i32_0 = arith.constant 0 : i32
    return %arg0, %c0_i32 : i32, i32
  }
  func.func @transform_2(%arg0: i32, %arg1: i32) -> (i32, i32, i32) {
    %c0_i32 = arith.constant 0 : i32
    %c0_i32_0 = arith.constant 0 : i32
    return %arg1, %arg0, %c0_i32 : i32, i32, i32
  }
}

</mosaic_0001>

<sc_bundles>
// kernel: kernel.4.cloned.1.call-start
scs
__scs_entry_jumppad:
0x0: {  	(pc) =	sbr.rel $0x88, $3  }
0x1: {  	(tag) =	ssettag $0x0;
	lr =	simm.s32 $0x1  }
0x2: {  	[smem:$0x3F9F] =	sst lr;
	_ =	strace $0xD0000000  }
0x3: {  	_ = 	snop  }
0x4: {  	_ = 	snop  }
0x5: {  	_ = 	snop  }
0x6: {  	_ = 	snop  }
0x7: {  	_ = 	snop  }
__scs_overlays_trampoline_lowered:
0x8: {  	[smem:$0x3FAE] =	sst s0  }
0x9: {  	[smem:$0x3FAF] =	sst s1  }
0xa: {  	[smem:$0x3FB0] =	sst s2  }
0xb: {  	[smem:$0x3FB1] =	sst s3  }
0xc: {  	[smem:$0x3FB2] =	sst s4  }
0xd: {  	[smem:$0x3FB3] =	sst s5  }
0xe: {  	[smem:$0x3FB4] =	sst s6  }
0xf: {  	[smem:$0x3FB5] =	sst s7  }
0x10: {  	[smem:$0x3FB6] =	sst s8  }
0x11: {  	[smem:$0x3FB7] =	sst s9;
	s0 =	simm.s32 @!p0 $0x0  }
0x12: {  	s1 =	sld [smem:$0x3F9D];
	s0 =	simm.s32 @p0 $0x1  }
0x13: {  	[smem:$0x3FB8] =	sst s0;
	s0 =	simm.s32 @!p1 $0x0  }
0x14: {  	s2 =	sld [smem:$0x3F9C];
	s0 =	simm.s32 @p1 $0x1  }
0x15: {  	[smem:$0x3FB9] =	sst s0;
	s0 =	simm.s32 @!p2 $0x0  }
0x16: {  	s3 =	sld [smem:$0x3FDB];
	s0 =	simm.s32 @p2 $0x1  }
0x17: {  	s4 =	simm.s32 $0x1BF5;
	[smem:$0x3FBB] =	sst s0  }
0x18: {  	s0 =	sld [smem:$0x3F9E];
	_ =	swait.ge [sflag:s4], $0x0  }
0x19: {  	s7 =	sld [smem:$0x3F9F]  }
0x1a: {  	s8 =	sadd.s32 $0xFFFFE003, lr  }
0x1b: {  	s9 =	sadd.s32 $0xFFFFFEF7, lr;
	s5 =	simm.s32 $0xFFFFFFFF;
	p2 =	slt.u32 s8, $0xFFFFF086  }
0x1c: {  	p1 =	slt.u32 s9, $0xF7A;
	s5 =	simm.s32 @!p2 $0x0  }
0x1d: {  	s5 =	simm.s32 @p1 $0x1;
	p0 =	seq.s32 s7, s2  }
0x1e: {  	s7 =	smul.u32 @!p0 $0xF7A, s2;
	p2 =	seq.s32 @!p0 s5, $0x0  }
0x1f: {  	s9 =	smul.u32 $0xF7A, s1;
	s8 =	simm.s32 @!p0 $0x1BF5;
	p2 =	por !p2, p0  }
0x20: {  	[sflag:s8] =	ssyncset.s32 @!p0 $0xFFFFF086;
	s6 =	sadd.s32 @!p0 s3, s7;
	s7 =	simm.s32 @!p0 $0x108  }
0x21: {  	s3 =	sadd.s32 s3, s9;
	s6 =	sadd.s32 @!p0 $0x88, s6;
	s7 =	simm.s32 @p2 $0x1082  }
0x22: {  	[simem:s7], [sflag:s8] =	dma.local @!p0 [hbm:s6], $0xF7A  }
0x23: {  	s9 =	sor.u32 $0xD0000000, s2;
	s6 =	simm.s32 $0x108;
	_ =	swait.ge @!p0 [sflag:s8], $0x0  }
0x24: {  	s3 =	sadd.s32 $0x88, s3;
	s6 =	simm.s32 @!p1 $0x1082;
	[sflag:s4] =	ssyncset.s32 $0xFFFFF086  }
0x25: {  	[simem:s6], [sflag:s4] =	dma.local [hbm:s3], $0xF7A  }
0x26: {  	[smem:$0x3F9F] =	sst s1;
	(tag) =	ssettag s2;
	_ =	strace s9  }
0x27: {  	s1 =	sld [smem:$0x3FAF]  }
0x28: {  	s2 =	sld [smem:$0x3FB0]  }
0x29: {  	s4 =	sld [smem:$0x3FB2]  }
0x2a: {  	p0 =	seq.s32 s5, $0x0;
	s5 =	sld [smem:$0x3FB3]  }
0x2b: {  	s6 =	sld [smem:$0x3FB4]  }
0x2c: {  	s7 =	sld [smem:$0x3FB5]  }
0x2d: {  	s3 =	simm.s32 $0x108;
	s8 =	sld [smem:$0x3FB6]  }
0x2e: {  	s3 =	simm.s32 @!p0 $0x1082;
	s9 =	sld [smem:$0x3FB7]  }
0x2f: {  	lr =	sadd.s32 s0, s3;
	s0 =	sld [smem:$0x3FAE]  }
0x30: {  	s3 =	sld [smem:$0x3FB1]  }
0x31: {  	[smem:$0x3FBA] =	sst s10  }
0x32: {  	s10 =	sld [smem:$0x3FB8];
	_ =	sdelay $0x3  }
0x33: {  	p0 =	seq.s32 s10, $0x1;
	s10 =	sld [smem:$0x3FBA];
	_ =	sdelay $0x3  }
0x34: {  	[smem:$0x3FBA] =	sst s10  }
0x35: {  	s10 =	sld [smem:$0x3FB9];
	_ =	sdelay $0x3  }
0x36: {  	p1 =	seq.s32 s10, $0x1;
	s10 =	sld [smem:$0x3FBA];
	_ =	sdelay $0x3  }
0x37: {  	[smem:$0x3FBA] =	sst s10  }
0x38: {  	s10 =	sld [smem:$0x3FBB]  }
0x39: {  	_ = 	snop;
	(pc) =	sbr.ind lr, $3  }
0x3a: {  	_ = 	snop  }
0x3b: {  	_ = 	snop  }
0x3c: {  	p2 =	seq.s32 s10, $0x1;
	s10 =	sld [smem:$0x3FBA]  }
0x3d: {  	_ =	shalt  }
0x3e: {  	_ =	shalt  }
0x3f: {  	_ =	shalt  }
0x40: {  	_ =	shalt  }
0x41: {  	_ =	shalt  }
0x42: {  	_ =	shalt  }
0x43: {  	_ =	shalt  }
0x44: {  	_ =	shalt  }
0x45: {  	_ =	shalt  }
0x46: {  	_ =	shalt  }
0x47: {  	_ =	shalt  }
0x48: {  	_ =	shalt  }
0x49: {  	_ =	shalt  }
0x4a: {  	_ =	shalt  }
0x4b: {  	_ =	shalt  }
0x4c: {  	_ =	shalt  }
0x4d: {  	_ =	shalt  }
0x4e: {  	_ =	shalt  }
0x4f: {  	_ =	shalt  }
0x50: {  	_ =	shalt  }
0x51: {  	_ =	shalt  }
0x52: {  	_ =	shalt  }
0x53: {  	_ =	shalt  }
0x54: {  	_ =	shalt  }
0x55: {  	_ =	shalt  }
0x56: {  	_ =	shalt  }
0x57: {  	_ =	shalt  }
0x58: {  	_ =	shalt  }
0x59: {  	_ =	shalt  }
0x5a: {  	_ =	shalt  }
0x5b: {  	_ =	shalt  }
0x5c: {  	_ =	shalt  }
0x5d: {  	_ =	shalt  }
0x5e: {  	_ =	shalt  }
0x5f: {  	_ =	shalt  }
0x60: {  	_ =	shalt  }
0x61: {  	_ =	shalt  }
0x62: {  	_ =	shalt  }
0x63: {  	_ =	shalt  }
0x64: {  	_ =	shalt  }
0x65: {  	_ =	shalt  }
0x66: {  	_ =	shalt  }
0x67: {  	_ =	shalt  }
0x68: {  	_ =	shalt  }
0x69: {  	_ =	shalt  }
0x6a: {  	_ =	shalt  }
0x6b: {  	_ =	shalt  }
0x6c: {  	_ =	shalt  }
0x6d: {  	_ =	shalt  }
0x6e: {  	_ =	shalt  }
0x6f: {  	_ =	shalt  }
0x70: {  	_ =	shalt  }
0x71: {  	_ =	shalt  }
0x72: {  	_ =	shalt  }
0x73: {  	_ =	shalt  }
0x74: {  	_ =	shalt  }
0x75: {  	_ =	shalt  }
0x76: {  	_ =	shalt  }
0x77: {  	_ =	shalt  }
0x78: {  	_ =	shalt  }
0x79: {  	_ =	shalt  }
0x7a: {  	_ =	shalt  }
0x7b: {  	_ =	shalt  }
0x7c: {  	_ =	shalt  }
0x7d: {  	_ =	shalt  }
0x7e: {  	_ =	shalt  }
0x7f: {  	_ =	shalt  }
0x80: {  	_ =	shalt  }
0x81: {  	_ =	shalt  }
0x82: {  	_ =	shalt  }
0x83: {  	_ =	shalt  }
0x84: {  	_ =	shalt  }
0x85: {  	_ =	shalt  }
0x86: {  	_ =	shalt  }
0x87: {  	_ =	shalt  }
.Lfunc_end0:
.L_simem_size_0:
called_computation.2_lowered:
.L_overlay_start_0:
0x88: {  	s2 =	sld [smem:$0x3FD9]  }
0x89: {  	s3 =	sld [smem:$0x3FFE];
	_ =	sdelay $0x1  }
0x8a: {  	s1 =	srdreg.scid  }
0x8b: {  	s0 =	sand.u32 $0x1, s1  }
0x8c: {  	s17 =	sshll.u32 s0, $0xA;
	s2 =	sadd.s32 s3, s2  }
0x8d: {  	s2 =	sadd.s32 s2, s17  }
0x8e: {  	[smem:$0x3FC6] =	sst s2  }
0x8f: {  	_ = 	snop  }
0x90: {  	s2 =	sld [smem:$0x3FD0];
	(tm) =	ssettm $0x1  }
0x91: {  	s18 =	sld [smem:$0x3FFB];
	_ =	sdelay $0x3  }
0x92: {  	_ =	strace s18  }
0x93: {  	s3 =	sld [smem:$0x3FFC];
	_ =	sdelay $0x3  }
0x94: {  	_ =	strace s3  }
0x95: {  	s3 =	sld [smem:$0x3FFD];
	_ =	sdelay $0x3  }
0x96: {  	_ =	strace s3  }
0x97: {  	_ =	strace $0x8FFFFFFF  }
0x98: {  	s19 =	sld [smem:$0x3FDB];
	_ =	sdelay $0x1  }
0x99: {  	s4 =	simm.s32 $_scs_section_size  }
0x9a: {  	s5 =	simm.s32 $_size__tile_overlayer_lowered;
	s6 =	simm.s32 $_tile_overlayer_lowered  }
0x9b: {  	s22 =	simm.s32 $0x1BFF;
	s21 =	sshll.u32 s6, $0x1;
	s3 =	sadd.s32 s4, s19  }
0x9c: {  	s7 =	simm.s32 $0x0;
	s20 =	sshll.u32 s5, $0x1;
	s5 =	sadd.s32 s21, s3  }
0x9d: {  	[timem:s7], [sflag:s22] =	dma.local [hbm:s5], s20  }
0x9e: {  	_ =	swait.ge [sflag:s22], s20  }
0x9f: {  	s4 =	ssub.s32 $0x0, s20;
	[sflag:s22] =	ssyncset.done $0x0  }
0xa0: {  	[sflag:s22] =	ssyncadd.s32 s4;
	_ =	sdelay $0x1  }
0xa1: {  	s23 =	simm.s32 $0x1B8B  }
0xa2: {  	_ =	swait.ge [sflag:s23], $0x1  }
0xa3: {  	[sflag:s23] =	ssyncset.done $0x0  }
0xa4: {  	s25 =	simm.s32 $0x1B8E;
	s24 =	sld [smem:$0x3FFE];
	[sflag:s23] =	ssyncadd.s32 $0xFFFFFFFF  }
0xa5: {  	s26 =	simm.s32 $execute0_lowered;
	[smem:$0x3FD2] =	sst s25  }
0xa6: {  	s5 =	sshll.u32 s26, $0x1;
	_ =	strace $0x8000004C;
	[dreg:$0x1] =	wrdreg $0xFFFFFFFF  }
0xa7: {  	s28 =	simm.s32 $_size_execute0_lowered;
	s3 =	sadd.s32 s3, s5;
	[dreg:$0x0] =	wrdreg $0x0  }
0xa8: {  	s5 =	sshll.u32 s28, $0x1;
	[dreg:$0x2] =	wrdreg s3  }
0xa9: {  	[dreg:$0x3] =	wrdreg s5  }
0xaa: {  	[dreg:$0x4] =	wrdreg $0xC0  }
0xab: {  	_ =	task [dreg:s7], $0x5FFFF  }
0xac: {  	[dreg:$0x1] =	wrdreg $0xFFFFFFFF  }
0xad: {  	[dreg:$0x0] =	wrdreg $0x60  }
0xae: {  	[dreg:$0x2] =	wrdreg s2  }
0xaf: {  	[dreg:$0x3] =	wrdreg s24  }
0xb0: {  	[dreg:$0x4] =	wrdreg $0x9  }
0xb1: {  	_ =	task.clear_ibuf [dreg:s7], $0x5FFFF;
	_ =	strace $0x9000004C  }
0xb2: {  	s29 =	simm.s32 $0x9;
	_ =	strace $0x8000004E  }
0xb3: {  	_ =	swait.ge [sflag:s29], $0x1  }
0xb4: {  	[sflag:s29] =	ssyncadd.s32 $0xFFFFFFFF  }
0xb5: {  	_ =	strace $0x9000004E  }
0xb6: {  	_ =	sfence  }
0xb7: {  	s30 =	sld [smem:$0x0];
	_ =	sdelay $0x2  }
0xb8: {  	s31 =	sshll.u32 s1, $0xD;
	s1 =	sshrl.u32 s1, $0x2  }
0xb9: {  	s3 =	sand.u32 $0x4000, s31;
	s1 =	sadd.s32 s1, s30  }
0xba: {  	s0 =	sor.u32 s3, s0;
	s1 =	sshll.u32 s1, $0x11  }
0xbb: {  	s0 =	sor.u32 s1, s0  }
0xbc: {  	s0 =	sadd.s32 $0x8F2B, s0  }
0xbd: {  	[sflag:s0] =	ssyncadd.remote.s32 $0x1  }
0xbe: {  	_ =	sfence.sel $0xFFFF  }
0xbf: {  	[dreg:$0x0] =	wrdreg $0xFFFFFFFF;
	(pc) =	sbr.abs _section_cstart, $3  }
0xc0: {  	[dreg:$0x1] =	wrdreg $0xFFFFFFFF  }
0xc1: {  	_ =	task.clear_ibuf [dreg:s7], $0x2FFFF;
	_ =	strace $0x9FFFFFFF  }
0xc2: {  	(tm) =	ssettm $0x7FFFFFFF  }
0xc3: {  	_ =	shalt  }
tec
execute0_lowered:
.L_overlay_start_1:
0x0: {  	(tag) =	ssettag $0x1  }
0x1: {  	s0 =	rddreg [dreg:$0x0]  }
0x2: {  	s1 =	rddreg [dreg:$0x1]  }
0x3: {  	s3 =	srdreg.scid;
	s2 =	simm.s32 $0x0;
	s4 =	stileid.u32  }
0x4: {  	s28 =	simm.s32 $0xC000;
	s29 =	simm.s32 $0x2;
	s30 =	simm.s32 $0x5  }
0x5: {  	s31 =	simm.s32 $0x3;
	s3 =	sand.u32 $0x1, s3;
	[smem:$0x7FF] =	sst s2  }
0x6: {  	s4 =	sshll.u32 s4, $0xD;
	s19 =	sadd.s32 $0xE00, s1;
	s5 =	sshll.u32 s3, $0xC  }
0x7: {  	_ =	strace $0x8000004D;
	s3 =	ssub.s32 $0x2, s3;
	s4 =	sor.u32 s5, s4  }
0x8: {  	s6 =	sshrl.u32 s3, $0x1;
	s5 =	simm.s32 $0x0;
	s1 =	sadd.s32 s4, s1  }
0x9: {  	s3 =	ssub.s32 s3, s6;
	s20 =	sor.u32 $0xE0000, s4;
	s7 =	sadd.s32 s4, s0  }
0xa: {  	s4 =	sor.u32 $0xE0800, s4;
	s8 =	sadd.s32 $0x1E0000, s7;
	s22 =	sadd.s32 $0x100E00, s1  }
0xb: {  	s21 =	sadd.s32 $0x2E0000, s7;
	s23 =	sadd.s32 $0x3E0000, s7;
	s24 =	sadd.s32 $0x120E00, s1  }
0xc: {  	s25 =	sadd.s32 s19, s20;
	s26 =	sadd.s32 $0x140E00, s1;
	s10 =	sadd.s32 $0x1E0800, s7  }
0xd: {  	s11 =	sadd.s32 s0, s20;
	s12 =	sadd.s32 $0x160E00, s1;
	[dreg:$0x3] =	wrdreg s8  }
0xe: {  	s13 =	sadd.s32 $0x2E0800, s7;
	s14 =	sadd.s32 s0, s4;
	[dreg:$0x4] =	wrdreg s21  }
0xf: {  	s15 =	sadd.s32 $0x101600, s1;
	s16 =	sadd.s32 $0x3E0800, s7;
	[dreg:$0x5] =	wrdreg s22  }
0x10: {  	s17 =	sadd.s32 s19, s4;
	s18 =	sadd.s32 $0x121600, s1;
	[dreg:$0x6] =	wrdreg s23  }
0x11: {  	s19 =	sadd.s32 $0x141600, s1;
	s20 =	sadd.s32 $0x161600, s1;
	[dreg:$0x7] =	wrdreg s24  }
0x12: {  	s0 =	simm.s32 $0x6;
	s1 =	simm.s32 $0x7;
	[dreg:$0x8] =	wrdreg s25  }
0x13: {  	s4 =	simm.s32 $0x8;
	[dreg:$0x9] =	wrdreg s26;
	s21 =	smax.u32 s3, $0x1  }
0x14: {  	s23 =	simm.s32 $0x4000;
	s24 =	simm.s32 $0x8000;
	s25 =	simm.s32 $0x1  }
0x15: {  	s26 =	simm.s32 $0x9;
	s22 =	simm.s32 $0x4;
	s3 =	simm.s32 $0xA  }
.LBB2_1:
0x16: {  	s6 =	rddreg [dreg:$0x8];
	s7 =	simm.s32 $0x10000  }
0x17: {  	[tilespmem:s7], [sflag:$0x9] =	stream.linear.gather [hbm4b:s6+s2], $0x4000, $0x38;
	[tilespmem:$0x18000] =	vst v63  }
0x18: {  	_ = 	snop  }
0x19: {  	[tilespmem:s2], [sflag:$0x1] =	stream.linear.gather [hbm4b:s11+s2], $0x4000, $0x38;
	[tilespmem:$0x18000] =	vst v63  }
0x1a: {  	s8 =	rddreg [dreg:$0x3]  }
0x1b: {  	[tilespmem:s23], [sflag:$0x2] =	stream.linear.gather [hbm4b:s8+s2], $0x4000, $0x38;
	[tilespmem:$0x18000] =	vst v63  }
0x1c: {  	s9 =	rddreg [dreg:$0x4]  }
0x1d: {  	[tilespmem:s24], [sflag:$0x3] =	stream.linear.gather [hbm4b:s9+s2], $0x4000, $0x38;
	[tilespmem:$0x18000] =	vst v63  }
0x1e: {  	_ =	swait.ge [sflag:s25], $0x4000  }
0x1f: {  	[sflag:s25] =	ssyncset.done $0x0  }
0x20: {  	[sflag:s25] =	ssyncadd.s32 $0xFFFFC000  }
0x21: {  	_ =	swait.ge [sflag:s26], $0x4000  }
0x22: {  	[sflag:s26] =	ssyncset.done $0x0  }
0x23: {  	s6 =	simm.s32 $0x40;
	[sflag:s26] =	ssyncadd.s32 $0xFFFFC000  }
0x24: {  	s7 =	simm.s32 $0x10040;
	v1 =	vld [tilespmem:s6+$0x30]  }
0x25: {  	v2 =	vld [tilespmem:s7+$0x30]  }
0x26: {  	v0 =	vld [tilespmem:s7+$0xFFFFFFC0]  }
0x27: {  	v3 =	vld [tilespmem:s6+$0xFFFFFFD0]  }
0x28: {  	v4 =	vld [tilespmem:s7+$0xFFFFFFD0]  }
0x29: {  	v5 =	vld [tilespmem:s6+$0xFFFFFFE0]  }
0x2a: {  	v6 =	vld [tilespmem:s7+$0xFFFFFFE0]  }
0x2b: {  	v7 =	vld [tilespmem:s6+$0xFFFFFFF0]  }
0x2c: {  	v8 =	vld [tilespmem:s7+$0xFFFFFFF0]  }
0x2d: {  	v9 =	vld [tilespmem:s6+$0x0]  }
0x2e: {  	v10 =	vld [tilespmem:s7+$0x0];
	v2 =	vadd.f32 v2, v1  }
0x2f: {  	v4 =	vadd.f32 v4, v3;
	v1 =	vld [tilespmem:s6+$0x10]  }
0x30: {  	v5 =	vadd.f32 v6, v5;
	v3 =	vld [tilespmem:s7+$0x10];
	[tilespmem:s6+$0x30] =	vst v2  }
0x31: {  	v6 =	vadd.f32 v8, v7;
	[tilespmem:s6+$0xFFFFFFD0] =	vst v4;
	v2 =	vld [tilespmem:s6+$0x20]  }
0x32: {  	[tilespmem:s6+$0xFFFFFFE0] =	vst v5;
	v5 =	vld [tilespmem:s7+$0x20]  }
0x33: {  	s8 =	simm.s32 $0x0;
	s9 =	simm.s32 $0xC0;
	v4 =	vld [tilespmem:s6+$0xFFFFFFC0];
	[tilespmem:s6+$0xFFFFFFF0] =	vst v6;
	v6 =	vadd.f32 v10, v9  }
.LBB2_2:
0x34: {  	v7 =	vld [tilespmem:s9+$0x30];
	s7 =	sadd.s32 $0x80, s7  }
0x35: {  	s8 =	sadd.s32 $0x8, s8;
	v8 =	vld [tilespmem:s7+$0x30];
	[tilespmem:s6+$0x0] =	vst v6;
	v1 =	vadd.f32 v3, v1  }
0x36: {  	p0 =	slt.u32 s8, $0x3F8;
	v3 =	vld [tilespmem:s7+$0xFFFFFFC0]  }
0x37: {  	v6 =	vld [tilespmem:s9+$0xFFFFFFD0];
	[tilespmem:s6+$0x10] =	vst v1;
	v1 =	vadd.f32 v5, v2  }
0x38: {  	v2 =	vld [tilespmem:s7+$0xFFFFFFD0];
	v9 =	vadd.f32 v0, v4  }
0x39: {  	v4 =	vld [tilespmem:s9+$0xFFFFFFE0];
	[tilespmem:s6+$0x20] =	vst v1  }
0x3a: {  	v1 =	vld [tilespmem:s7+$0xFFFFFFE0];
	v5 =	vadd.f32 v8, v7;
	[tilespmem:s6+$0xFFFFFFC0] =	vst v9;
	s6 =	smov.u32 s9  }
0x3b: {  	v7 =	vld [tilespmem:s9+$0xFFFFFFF0];
	v0 =	vmov v3  }
0x3c: {  	v8 =	vld [tilespmem:s7+$0xFFFFFFF0];
	[tilespmem:s9+$0x30] =	vst v5  }
0x3d: {  	v2 =	vadd.f32 v2, v6;
	v6 =	vld [tilespmem:s9+$0x0]  }
0x3e: {  	v9 =	vld [tilespmem:s7+$0x0]  }
.Ltmp0:
0x3f: {  	[tilespmem:s9+$0xFFFFFFD0] =	vst v2;
	v2 =	vadd.f32 v1, v4;
	v1 =	vld [tilespmem:s9+$0x10];
	(pc) =	sbr.rel @p0 .LBB2_2-.Ltmp0, $4  }
0x40: {  	v3 =	vld [tilespmem:s7+$0x10]  }
0x41: {  	[tilespmem:s9+$0xFFFFFFE0] =	vst v2;
	v7 =	vadd.f32 v8, v7;
	v2 =	vld [tilespmem:s9+$0x20]  }
0x42: {  	v5 =	vld [tilespmem:s7+$0x20]  }
0x43: {  	s9 =	sadd.s32 $0x80, s9;
	v4 =	vld [tilespmem:s6+$0xFFFFFFC0];
	[tilespmem:s6+$0xFFFFFFF0] =	vst v7;
	v6 =	vadd.f32 v9, v6  }
0x44: {  	_ =	sdelay $0x1  }
0x45: {  	v1 =	vadd.f32 v3, v1  }
0x46: {  	[tilespmem:s6+$0x0] =	vst v6;
	v2 =	vadd.f32 v5, v2  }
0x47: {  	[tilespmem:s6+$0x10] =	vst v1;
	v0 =	vadd.f32 v0, v4  }
0x48: {  	[tilespmem:s6+$0x20] =	vst v2  }
0x49: {  	[tilespmem:s6+$0xFFFFFFC0] =	vst v0  }
0x4a: {  	s6 =	rddreg [dreg:$0x5]  }
0x4b: {  	[hbm4b:s6+s2] =	stream.linear.scatter [tilespmem:s2], [sflag:$0x5], $0x4000, $0x38;
	[tilespmem:$0x18000] =	vst v63  }
0x4c: {  	s9 =	rddreg [dreg:$0x6]  }
0x4d: {  	[tilespmem:s28], [sflag:$0x4] =	stream.linear.gather [hbm4b:s9+s2], $0x4000, $0x38;
	[tilespmem:$0x18000] =	vst v63  }
0x4e: {  	_ =	swait.ge [sflag:s29], $0x4000  }
0x4f: {  	[sflag:s29] =	ssyncset.done $0x0  }
0x50: {  	s6 =	simm.s32 $0x4040;
	[sflag:s29] =	ssyncadd.s32 $0xFFFFC000  }
0x51: {  	s7 =	simm.s32 $0x10040;
	v1 =	vld [tilespmem:s6+$0x30]  }
0x52: {  	v2 =	vld [tilespmem:s7+$0x30]  }
0x53: {  	v0 =	vld [tilespmem:s7+$0xFFFFFFC0]  }
0x54: {  	v3 =	vld [tilespmem:s6+$0xFFFFFFD0]  }
0x55: {  	v4 =	vld [tilespmem:s7+$0xFFFFFFD0]  }
0x56: {  	v5 =	vld [tilespmem:s6+$0xFFFFFFE0]  }
0x57: {  	v6 =	vld [tilespmem:s7+$0xFFFFFFE0]  }
0x58: {  	v7 =	vld [tilespmem:s6+$0xFFFFFFF0]  }
0x59: {  	v8 =	vld [tilespmem:s7+$0xFFFFFFF0]  }
0x5a: {  	v9 =	vld [tilespmem:s6+$0x0]  }
0x5b: {  	v10 =	vld [tilespmem:s7+$0x0];
	v2 =	vadd.f32 v2, v1  }
0x5c: {  	v4 =	vadd.f32 v4, v3;
	v1 =	vld [tilespmem:s6+$0x10]  }
0x5d: {  	v5 =	vadd.f32 v6, v5;
	v3 =	vld [tilespmem:s7+$0x10];
	[tilespmem:s6+$0x30] =	vst v2  }
0x5e: {  	v6 =	vadd.f32 v8, v7;
	[tilespmem:s6+$0xFFFFFFD0] =	vst v4;
	v2 =	vld [tilespmem:s6+$0x20]  }
0x5f: {  	[tilespmem:s6+$0xFFFFFFE0] =	vst v5;
	v5 =	vld [tilespmem:s7+$0x20]  }
0x60: {  	s8 =	simm.s32 $0x0;
	s9 =	simm.s32 $0x40C0;
	v4 =	vld [tilespmem:s6+$0xFFFFFFC0];
	[tilespmem:s6+$0xFFFFFFF0] =	vst v6;
	v6 =	vadd.f32 v10, v9  }
.LBB2_4:
0x61: {  	v7 =	vld [tilespmem:s9+$0x30];
	s7 =	sadd.s32 $0x80, s7  }
0x62: {  	s8 =	sadd.s32 $0x8, s8;
	v8 =	vld [tilespmem:s7+$0x30];
	[tilespmem:s6+$0x0] =	vst v6;
	v1 =	vadd.f32 v3, v1  }
0x63: {  	p0 =	slt.u32 s8, $0x3F8;
	v3 =	vld [tilespmem:s7+$0xFFFFFFC0]  }
0x64: {  	v6 =	vld [tilespmem:s9+$0xFFFFFFD0];
	[tilespmem:s6+$0x10] =	vst v1;
	v1 =	vadd.f32 v5, v2  }
0x65: {  	v2 =	vld [tilespmem:s7+$0xFFFFFFD0];
	v9 =	vadd.f32 v0, v4  }
0x66: {  	v4 =	vld [tilespmem:s9+$0xFFFFFFE0];
	[tilespmem:s6+$0x20] =	vst v1  }
0x67: {  	v1 =	vld [tilespmem:s7+$0xFFFFFFE0];
	v5 =	vadd.f32 v8, v7;
	[tilespmem:s6+$0xFFFFFFC0] =	vst v9;
	s6 =	smov.u32 s9  }
0x68: {  	v7 =	vld [tilespmem:s9+$0xFFFFFFF0];
	v0 =	vmov v3  }
0x69: {  	v8 =	vld [tilespmem:s7+$0xFFFFFFF0];
	[tilespmem:s9+$0x30] =	vst v5  }
0x6a: {  	v2 =	vadd.f32 v2, v6;
	v6 =	vld [tilespmem:s9+$0x0]  }
0x6b: {  	v9 =	vld [tilespmem:s7+$0x0]  }
.Ltmp1:
0x6c: {  	[tilespmem:s9+$0xFFFFFFD0] =	vst v2;
	v2 =	vadd.f32 v1, v4;
	v1 =	vld [tilespmem:s9+$0x10];
	(pc) =	sbr.rel @p0 .LBB2_4-.Ltmp1, $4  }
0x6d: {  	v3 =	vld [tilespmem:s7+$0x10]  }
0x6e: {  	[tilespmem:s9+$0xFFFFFFE0] =	vst v2;
	v7 =	vadd.f32 v8, v7;
	v2 =	vld [tilespmem:s9+$0x20]  }
0x6f: {  	v5 =	vld [tilespmem:s7+$0x20]  }
0x70: {  	s9 =	sadd.s32 $0x80, s9;
	v4 =	vld [tilespmem:s6+$0xFFFFFFC0];
	[tilespmem:s6+$0xFFFFFFF0] =	vst v7;
	v6 =	vadd.f32 v9, v6  }
0x71: {  	_ =	sdelay $0x1  }
0x72: {  	v1 =	vadd.f32 v3, v1  }
0x73: {  	[tilespmem:s6+$0x0] =	vst v6;
	v2 =	vadd.f32 v5, v2  }
0x74: {  	[tilespmem:s6+$0x10] =	vst v1;
	v0 =	vadd.f32 v0, v4  }
0x75: {  	[tilespmem:s6+$0x20] =	vst v2  }
0x76: {  	[tilespmem:s6+$0xFFFFFFC0] =	vst v0  }
0x77: {  	s6 =	rddreg [dreg:$0x7]  }
0x78: {  	[hbm4b:s6+s2] =	stream.linear.scatter [tilespmem:s23], [sflag:$0x6], $0x4000, $0x38;
	[tilespmem:$0x18000] =	vst v63  }
0x79: {  	_ =	swait.ge [sflag:s30], $0x4000  }
0x7a: {  	[sflag:s30] =	ssyncset.done $0x0  }
0x7b: {  	[sflag:s30] =	ssyncadd.s32 $0xFFFFC000  }
0x7c: {  	[tilespmem:s2], [sflag:$0x1] =	stream.linear.gather [hbm4b:s14+s2], $0x4000, $0x38;
	[tilespmem:$0x18000] =	vst v63  }
0x7d: {  	_ =	swait.ge [sflag:s31], $0x4000  }
0x7e: {  	[sflag:s31] =	ssyncset.done $0x0  }
0x7f: {  	s6 =	simm.s32 $0x8040;
	[sflag:s31] =	ssyncadd.s32 $0xFFFFC000  }
0x80: {  	s7 =	simm.s32 $0x10040;
	v1 =	vld [tilespmem:s6+$0x30]  }
0x81: {  	v2 =	vld [tilespmem:s7+$0x30]  }
0x82: {  	v0 =	vld [tilespmem:s7+$0xFFFFFFC0]  }
0x83: {  	v3 =	vld [tilespmem:s6+$0xFFFFFFD0]  }
0x84: {  	v4 =	vld [tilespmem:s7+$0xFFFFFFD0]  }
0x85: {  	v5 =	vld [tilespmem:s6+$0xFFFFFFE0]  }
0x86: {  	v6 =	vld [tilespmem:s7+$0xFFFFFFE0]  }
0x87: {  	v7 =	vld [tilespmem:s6+$0xFFFFFFF0]  }
0x88: {  	v8 =	vld [tilespmem:s7+$0xFFFFFFF0]  }
0x89: {  	v9 =	vld [tilespmem:s6+$0x0]  }
0x8a: {  	v10 =	vld [tilespmem:s7+$0x0];
	v2 =	vadd.f32 v2, v1  }
0x8b: {  	v4 =	vadd.f32 v4, v3;
	v1 =	vld [tilespmem:s6+$0x10]  }
0x8c: {  	v5 =	vadd.f32 v6, v5;
	v3 =	vld [tilespmem:s7+$0x10];
	[tilespmem:s6+$0x30] =	vst v2  }
0x8d: {  	v6 =	vadd.f32 v8, v7;
	[tilespmem:s6+$0xFFFFFFD0] =	vst v4;
	v2 =	vld [tilespmem:s6+$0x20]  }
0x8e: {  	[tilespmem:s6+$0xFFFFFFE0] =	vst v5;
	v5 =	vld [tilespmem:s7+$0x20]  }
0x8f: {  	s8 =	simm.s32 $0x0;
	s9 =	simm.s32 $0x80C0;
	v4 =	vld [tilespmem:s6+$0xFFFFFFC0];
	[tilespmem:s6+$0xFFFFFFF0] =	vst v6;
	v6 =	vadd.f32 v10, v9  }
.LBB2_6:
0x90: {  	v7 =	vld [tilespmem:s9+$0x30];
	s7 =	sadd.s32 $0x80, s7  }
0x91: {  	s8 =	sadd.s32 $0x8, s8;
	v8 =	vld [tilespmem:s7+$0x30];
	[tilespmem:s6+$0x0] =	vst v6;
	v1 =	vadd.f32 v3, v1  }
0x92: {  	p0 =	slt.u32 s8, $0x3F8;
	v3 =	vld [tilespmem:s7+$0xFFFFFFC0]  }
0x93: {  	v6 =	vld [tilespmem:s9+$0xFFFFFFD0];
	[tilespmem:s6+$0x10] =	vst v1;
	v1 =	vadd.f32 v5, v2  }
0x94: {  	v2 =	vld [tilespmem:s7+$0xFFFFFFD0];
	v9 =	vadd.f32 v0, v4  }
0x95: {  	v4 =	vld [tilespmem:s9+$0xFFFFFFE0];
	[tilespmem:s6+$0x20] =	vst v1  }
0x96: {  	v1 =	vld [tilespmem:s7+$0xFFFFFFE0];
	v5 =	vadd.f32 v8, v7;
	[tilespmem:s6+$0xFFFFFFC0] =	vst v9;
	s6 =	smov.u32 s9  }
0x97: {  	v7 =	vld [tilespmem:s9+$0xFFFFFFF0];
	v0 =	vmov v3  }
0x98: {  	v8 =	vld [tilespmem:s7+$0xFFFFFFF0];
	[tilespmem:s9+$0x30] =	vst v5  }
0x99: {  	v2 =	vadd.f32 v2, v6;
	v6 =	vld [tilespmem:s9+$0x0]  }
0x9a: {  	v9 =	vld [tilespmem:s7+$0x0]  }
.Ltmp2:
0x9b: {  	[tilespmem:s9+$0xFFFFFFD0] =	vst v2;
	v2 =	vadd.f32 v1, v4;
	v1 =	vld [tilespmem:s9+$0x10];
	(pc) =	sbr.rel @p0 .LBB2_6-.Ltmp2, $4  }
0x9c: {  	v3 =	vld [tilespmem:s7+$0x10]  }
0x9d: {  	[tilespmem:s9+$0xFFFFFFE0] =	vst v2;
	v7 =	vadd.f32 v8, v7;
	v2 =	vld [tilespmem:s9+$0x20]  }
0x9e: {  	v5 =	vld [tilespmem:s7+$0x20]  }
0x9f: {  	s9 =	sadd.s32 $0x80, s9;
	v4 =	vld [tilespmem:s6+$0xFFFFFFC0];
	[tilespmem:s6+$0xFFFFFFF0] =	vst v7;
	v6 =	vadd.f32 v9, v6  }
0xa0: {  	_ =	sdelay $0x1  }
0xa1: {  	v1 =	vadd.f32 v3, v1  }
0xa2: {  	[tilespmem:s6+$0x0] =	vst v6;
	v2 =	vadd.f32 v5, v2  }
0xa3: {  	[tilespmem:s6+$0x10] =	vst v1;
	v0 =	vadd.f32 v0, v4  }
0xa4: {  	[tilespmem:s6+$0x20] =	vst v2  }
0xa5: {  	[tilespmem:s6+$0xFFFFFFC0] =	vst v0  }
0xa6: {  	s6 =	rddreg [dreg:$0x9]  }
0xa7: {  	[hbm4b:s6+s2] =	stream.linear.scatter [tilespmem:s24], [sflag:$0x7], $0x4000, $0x38;
	[tilespmem:$0x18000] =	vst v63  }
0xa8: {  	_ =	swait.ge [sflag:s0], $0x4000  }
0xa9: {  	[sflag:s0] =	ssyncset.done $0x0  }
0xaa: {  	[sflag:s0] =	ssyncadd.s32 $0xFFFFC000  }
0xab: {  	[tilespmem:s23], [sflag:$0x2] =	stream.linear.gather [hbm4b:s10+s2], $0x4000, $0x38;
	[tilespmem:$0x18000] =	vst v63  }
0xac: {  	s9 =	simm.s32 $0x14000  }
0xad: {  	[tilespmem:s9], [sflag:$0xA] =	stream.linear.gather [hbm4b:s17+s2], $0x4000, $0x38;
	[tilespmem:$0x18000] =	vst v63  }
0xae: {  	_ =	swait.ge [sflag:s22], $0x4000  }
0xaf: {  	[sflag:s22] =	ssyncset.done $0x0  }
0xb0: {  	s6 =	simm.s32 $0xC040;
	[sflag:s22] =	ssyncadd.s32 $0xFFFFC000  }
0xb1: {  	s7 =	simm.s32 $0x10040;
	v1 =	vld [tilespmem:s6+$0x30]  }
0xb2: {  	v2 =	vld [tilespmem:s7+$0x30]  }
0xb3: {  	v0 =	vld [tilespmem:s7+$0xFFFFFFC0]  }
0xb4: {  	v3 =	vld [tilespmem:s6+$0xFFFFFFD0]  }
0xb5: {  	v4 =	vld [tilespmem:s7+$0xFFFFFFD0]  }
0xb6: {  	v5 =	vld [tilespmem:s6+$0xFFFFFFE0]  }
0xb7: {  	v6 =	vld [tilespmem:s7+$0xFFFFFFE0]  }
0xb8: {  	v7 =	vld [tilespmem:s6+$0xFFFFFFF0]  }
0xb9: {  	v8 =	vld [tilespmem:s7+$0xFFFFFFF0]  }
0xba: {  	v9 =	vld [tilespmem:s6+$0x0]  }
0xbb: {  	v10 =	vld [tilespmem:s7+$0x0];
	v2 =	vadd.f32 v2, v1  }
0xbc: {  	v4 =	vadd.f32 v4, v3;
	v1 =	vld [tilespmem:s6+$0x10]  }
0xbd: {  	v5 =	vadd.f32 v6, v5;
	v3 =	vld [tilespmem:s7+$0x10];
	[tilespmem:s6+$0x30] =	vst v2  }
0xbe: {  	v6 =	vadd.f32 v8, v7;
	[tilespmem:s6+$0xFFFFFFD0] =	vst v4;
	v2 =	vld [tilespmem:s6+$0x20]  }
0xbf: {  	[tilespmem:s6+$0xFFFFFFE0] =	vst v5;
	v5 =	vld [tilespmem:s7+$0x20]  }
0xc0: {  	s8 =	simm.s32 $0x0;
	s9 =	simm.s32 $0xC0C0;
	v4 =	vld [tilespmem:s6+$0xFFFFFFC0];
	[tilespmem:s6+$0xFFFFFFF0] =	vst v6;
	v6 =	vadd.f32 v10, v9  }
.LBB2_8:
0xc1: {  	v7 =	vld [tilespmem:s9+$0x30];
	s7 =	sadd.s32 $0x80, s7  }
0xc2: {  	s8 =	sadd.s32 $0x8, s8;
	v8 =	vld [tilespmem:s7+$0x30];
	[tilespmem:s6+$0x0] =	vst v6;
	v1 =	vadd.f32 v3, v1  }
0xc3: {  	p0 =	slt.u32 s8, $0x3F8;
	v3 =	vld [tilespmem:s7+$0xFFFFFFC0]  }
0xc4: {  	v6 =	vld [tilespmem:s9+$0xFFFFFFD0];
	[tilespmem:s6+$0x10] =	vst v1;
	v1 =	vadd.f32 v5, v2  }
0xc5: {  	v2 =	vld [tilespmem:s7+$0xFFFFFFD0];
	v9 =	vadd.f32 v0, v4  }
0xc6: {  	v4 =	vld [tilespmem:s9+$0xFFFFFFE0];
	[tilespmem:s6+$0x20] =	vst v1  }
0xc7: {  	v1 =	vld [tilespmem:s7+$0xFFFFFFE0];
	v5 =	vadd.f32 v8, v7;
	[tilespmem:s6+$0xFFFFFFC0] =	vst v9;
	s6 =	smov.u32 s9  }
0xc8: {  	v7 =	vld [tilespmem:s9+$0xFFFFFFF0];
	v0 =	vmov v3  }
0xc9: {  	v8 =	vld [tilespmem:s7+$0xFFFFFFF0];
	[tilespmem:s9+$0x30] =	vst v5  }
0xca: {  	v2 =	vadd.f32 v2, v6;
	v6 =	vld [tilespmem:s9+$0x0]  }
0xcb: {  	v9 =	vld [tilespmem:s7+$0x0]  }
.Ltmp3:
0xcc: {  	[tilespmem:s9+$0xFFFFFFD0] =	vst v2;
	v2 =	vadd.f32 v1, v4;
	v1 =	vld [tilespmem:s9+$0x10];
	(pc) =	sbr.rel @p0 .LBB2_8-.Ltmp3, $4  }
0xcd: {  	v3 =	vld [tilespmem:s7+$0x10]  }
0xce: {  	[tilespmem:s9+$0xFFFFFFE0] =	vst v2;
	v7 =	vadd.f32 v8, v7;
	v2 =	vld [tilespmem:s9+$0x20]  }
0xcf: {  	v5 =	vld [tilespmem:s7+$0x20]  }
0xd0: {  	s9 =	sadd.s32 $0x80, s9;
	v4 =	vld [tilespmem:s6+$0xFFFFFFC0];
	[tilespmem:s6+$0xFFFFFFF0] =	vst v7;
	v6 =	vadd.f32 v9, v6  }
0xd1: {  	_ =	sdelay $0x1  }
0xd2: {  	v1 =	vadd.f32 v3, v1  }
0xd3: {  	[tilespmem:s6+$0x0] =	vst v6;
	v2 =	vadd.f32 v5, v2  }
0xd4: {  	[tilespmem:s6+$0x10] =	vst v1;
	v0 =	vadd.f32 v0, v4  }
0xd5: {  	[tilespmem:s6+$0x20] =	vst v2  }
0xd6: {  	[tilespmem:s6+$0xFFFFFFC0] =	vst v0  }
0xd7: {  	[hbm4b:s12+s2] =	stream.linear.scatter [tilespmem:s28], [sflag:$0x8], $0x4000, $0x38;
	[tilespmem:$0x18000] =	vst v63  }
0xd8: {  	_ =	swait.ge [sflag:s1], $0x4000  }
0xd9: {  	[sflag:s1] =	ssyncset.done $0x0  }
0xda: {  	[sflag:s1] =	ssyncadd.s32 $0xFFFFC000  }
0xdb: {  	[tilespmem:s24], [sflag:$0x3] =	stream.linear.gather [hbm4b:s13+s2], $0x4000, $0x38;
	[tilespmem:$0x18000] =	vst v63  }
0xdc: {  	_ =	swait.ge [sflag:s25], $0x4000  }
0xdd: {  	[sflag:s25] =	ssyncset.done $0x0  }
0xde: {  	[sflag:s25] =	ssyncadd.s32 $0xFFFFC000  }
0xdf: {  	_ =	swait.ge [sflag:s3], $0x4000  }
0xe0: {  	[sflag:s3] =	ssyncset.done $0x0  }
0xe1: {  	s6 =	simm.s32 $0x40;
	[sflag:s3] =	ssyncadd.s32 $0xFFFFC000  }
0xe2: {  	s7 =	simm.s32 $0x14040;
	v1 =	vld [tilespmem:s6+$0x30]  }
0xe3: {  	v2 =	vld [tilespmem:s7+$0x30]  }
0xe4: {  	v0 =	vld [tilespmem:s7+$0xFFFFFFC0]  }
0xe5: {  	v3 =	vld [tilespmem:s6+$0xFFFFFFD0]  }
0xe6: {  	v4 =	vld [tilespmem:s7+$0xFFFFFFD0]  }
0xe7: {  	v5 =	vld [tilespmem:s6+$0xFFFFFFE0]  }
0xe8: {  	v6 =	vld [tilespmem:s7+$0xFFFFFFE0]  }
0xe9: {  	v7 =	vld [tilespmem:s6+$0xFFFFFFF0]  }
0xea: {  	v8 =	vld [tilespmem:s7+$0xFFFFFFF0]  }
0xeb: {  	v9 =	vld [tilespmem:s6+$0x0]  }
0xec: {  	v10 =	vld [tilespmem:s7+$0x0];
	v2 =	vadd.f32 v2, v1  }
0xed: {  	v4 =	vadd.f32 v4, v3;
	v1 =	vld [tilespmem:s6+$0x10]  }
0xee: {  	v5 =	vadd.f32 v6, v5;
	v3 =	vld [tilespmem:s7+$0x10];
	[tilespmem:s6+$0x30] =	vst v2  }
0xef: {  	v6 =	vadd.f32 v8, v7;
	[tilespmem:s6+$0xFFFFFFD0] =	vst v4;
	v2 =	vld [tilespmem:s6+$0x20]  }
0xf0: {  	[tilespmem:s6+$0xFFFFFFE0] =	vst v5;
	v5 =	vld [tilespmem:s7+$0x20]  }
0xf1: {  	s8 =	simm.s32 $0x0;
	s9 =	simm.s32 $0xC0;
	v4 =	vld [tilespmem:s6+$0xFFFFFFC0];
	[tilespmem:s6+$0xFFFFFFF0] =	vst v6;
	v6 =	vadd.f32 v10, v9  }
.LBB2_10:
0xf2: {  	v7 =	vld [tilespmem:s9+$0x30];
	s7 =	sadd.s32 $0x80, s7  }
0xf3: {  	s8 =	sadd.s32 $0x8, s8;
	v8 =	vld [tilespmem:s7+$0x30];
	[tilespmem:s6+$0x0] =	vst v6;
	v1 =	vadd.f32 v3, v1  }
0xf4: {  	p0 =	slt.u32 s8, $0x3F8;
	v3 =	vld [tilespmem:s7+$0xFFFFFFC0]  }
0xf5: {  	v6 =	vld [tilespmem:s9+$0xFFFFFFD0];
	[tilespmem:s6+$0x10] =	vst v1;
	v1 =	vadd.f32 v5, v2  }
0xf6: {  	v2 =	vld [tilespmem:s7+$0xFFFFFFD0];
	v9 =	vadd.f32 v0, v4  }
0xf7: {  	v4 =	vld [tilespmem:s9+$0xFFFFFFE0];
	[tilespmem:s6+$0x20] =	vst v1  }
0xf8: {  	v1 =	vld [tilespmem:s7+$0xFFFFFFE0];
	v5 =	vadd.f32 v8, v7;
	[tilespmem:s6+$0xFFFFFFC0] =	vst v9;
	s6 =	smov.u32 s9  }
0xf9: {  	v7 =	vld [tilespmem:s9+$0xFFFFFFF0];
	v0 =	vmov v3  }
0xfa: {  	v8 =	vld [tilespmem:s7+$0xFFFFFFF0];
	[tilespmem:s9+$0x30] =	vst v5  }
0xfb: {  	v2 =	vadd.f32 v2, v6;
	v6 =	vld [tilespmem:s9+$0x0]  }
0xfc: {  	v9 =	vld [tilespmem:s7+$0x0]  }
.Ltmp4:
0xfd: {  	[tilespmem:s9+$0xFFFFFFD0] =	vst v2;
	v2 =	vadd.f32 v1, v4;
	v1 =	vld [tilespmem:s9+$0x10];
	(pc) =	sbr.rel @p0 .LBB2_10-.Ltmp4, $4  }
0xfe: {  	v3 =	vld [tilespmem:s7+$0x10]  }
0xff: {  	[tilespmem:s9+$0xFFFFFFE0] =	vst v2;
	v7 =	vadd.f32 v8, v7;
	v2 =	vld [tilespmem:s9+$0x20]  }
0x100: {  	v5 =	vld [tilespmem:s7+$0x20]  }
0x101: {  	s9 =	sadd.s32 $0x80, s9;
	v4 =	vld [tilespmem:s6+$0xFFFFFFC0];
	[tilespmem:s6+$0xFFFFFFF0] =	vst v7;
	v6 =	vadd.f32 v9, v6  }
0x102: {  	_ =	sdelay $0x1  }
0x103: {  	v1 =	vadd.f32 v3, v1  }
0x104: {  	[tilespmem:s6+$0x0] =	vst v6;
	v2 =	vadd.f32 v5, v2  }
0x105: {  	[tilespmem:s6+$0x10] =	vst v1;
	v0 =	vadd.f32 v0, v4  }
0x106: {  	[tilespmem:s6+$0x20] =	vst v2  }
0x107: {  	[tilespmem:s6+$0xFFFFFFC0] =	vst v0  }
0x108: {  	[hbm4b:s15+s2] =	stream.linear.scatter [tilespmem:s2], [sflag:$0x5], $0x4000, $0x38;
	[tilespmem:$0x18000] =	vst v63  }
0x109: {  	_ =	swait.ge [sflag:s4], $0x4000  }
0x10a: {  	[sflag:s4] =	ssyncset.done $0x0  }
0x10b: {  	[sflag:s4] =	ssyncadd.s32 $0xFFFFC000  }
0x10c: {  	[tilespmem:s28], [sflag:$0x4] =	stream.linear.gather [hbm4b:s16+s2], $0x4000, $0x38;
	[tilespmem:$0x18000] =	vst v63  }
0x10d: {  	_ =	swait.ge [sflag:s29], $0x4000  }
0x10e: {  	[sflag:s29] =	ssyncset.done $0x0  }
0x10f: {  	s6 =	simm.s32 $0x4040;
	[sflag:s29] =	ssyncadd.s32 $0xFFFFC000  }
0x110: {  	s7 =	simm.s32 $0x14040;
	v1 =	vld [tilespmem:s6+$0x30]  }
0x111: {  	v2 =	vld [tilespmem:s7+$0x30]  }
0x112: {  	v0 =	vld [tilespmem:s7+$0xFFFFFFC0]  }
0x113: {  	v3 =	vld [tilespmem:s6+$0xFFFFFFD0]  }
0x114: {  	v4 =	vld [tilespmem:s7+$0xFFFFFFD0]  }
0x115: {  	v5 =	vld [tilespmem:s6+$0xFFFFFFE0]  }
0x116: {  	v6 =	vld [tilespmem:s7+$0xFFFFFFE0]  }
0x117: {  	v7 =	vld [tilespmem:s6+$0xFFFFFFF0]  }
0x118: {  	v8 =	vld [tilespmem:s7+$0xFFFFFFF0]  }
0x119: {  	v9 =	vld [tilespmem:s6+$0x0]  }
0x11a: {  	v10 =	vld [tilespmem:s7+$0x0];
	v2 =	vadd.f32 v2, v1  }
0x11b: {  	v4 =	vadd.f32 v4, v3;
	v1 =	vld [tilespmem:s6+$0x10]  }
0x11c: {  	v5 =	vadd.f32 v6, v5;
	v3 =	vld [tilespmem:s7+$0x10];
	[tilespmem:s6+$0x30] =	vst v2  }
0x11d: {  	v6 =	vadd.f32 v8, v7;
	[tilespmem:s6+$0xFFFFFFD0] =	vst v4;
	v2 =	vld [tilespmem:s6+$0x20]  }
0x11e: {  	[tilespmem:s6+$0xFFFFFFE0] =	vst v5;
	v5 =	vld [tilespmem:s7+$0x20]  }
0x11f: {  	s8 =	simm.s32 $0x0;
	s9 =	simm.s32 $0x40C0;
	v4 =	vld [tilespmem:s6+$0xFFFFFFC0];
	[tilespmem:s6+$0xFFFFFFF0] =	vst v6;
	v6 =	vadd.f32 v10, v9  }
.LBB2_12:
0x120: {  	v7 =	vld [tilespmem:s9+$0x30];
	s7 =	sadd.s32 $0x80, s7  }
0x121: {  	s8 =	sadd.s32 $0x8, s8;
	v8 =	vld [tilespmem:s7+$0x30];
	[tilespmem:s6+$0x0] =	vst v6;
	v1 =	vadd.f32 v3, v1  }
0x122: {  	p0 =	slt.u32 s8, $0x3F8;
	v3 =	vld [tilespmem:s7+$0xFFFFFFC0]  }
0x123: {  	v6 =	vld [tilespmem:s9+$0xFFFFFFD0];
	[tilespmem:s6+$0x10] =	vst v1;
	v1 =	vadd.f32 v5, v2  }
0x124: {  	v2 =	vld [tilespmem:s7+$0xFFFFFFD0];
	v9 =	vadd.f32 v0, v4  }
0x125: {  	v4 =	vld [tilespmem:s9+$0xFFFFFFE0];
	[tilespmem:s6+$0x20] =	vst v1  }
0x126: {  	v1 =	vld [tilespmem:s7+$0xFFFFFFE0];
	v5 =	vadd.f32 v8, v7;
	[tilespmem:s6+$0xFFFFFFC0] =	vst v9;
	s6 =	smov.u32 s9  }
0x127: {  	v7 =	vld [tilespmem:s9+$0xFFFFFFF0];
	v0 =	vmov v3  }
0x128: {  	v8 =	vld [tilespmem:s7+$0xFFFFFFF0];
	[tilespmem:s9+$0x30] =	vst v5  }
0x129: {  	v2 =	vadd.f32 v2, v6;
	v6 =	vld [tilespmem:s9+$0x0]  }
0x12a: {  	v9 =	vld [tilespmem:s7+$0x0]  }
.Ltmp5:
0x12b: {  	[tilespmem:s9+$0xFFFFFFD0] =	vst v2;
	v2 =	vadd.f32 v1, v4;
	v1 =	vld [tilespmem:s9+$0x10];
	(pc) =	sbr.rel @p0 .LBB2_12-.Ltmp5, $4  }
0x12c: {  	v3 =	vld [tilespmem:s7+$0x10]  }
0x12d: {  	[tilespmem:s9+$0xFFFFFFE0] =	vst v2;
	v7 =	vadd.f32 v8, v7;
	v2 =	vld [tilespmem:s9+$0x20]  }
0x12e: {  	v5 =	vld [tilespmem:s7+$0x20]  }
0x12f: {  	s9 =	sadd.s32 $0x80, s9;
	v4 =	vld [tilespmem:s6+$0xFFFFFFC0];
	[tilespmem:s6+$0xFFFFFFF0] =	vst v7;
	v6 =	vadd.f32 v9, v6  }
0x130: {  	_ =	sdelay $0x1  }
0x131: {  	v1 =	vadd.f32 v3, v1  }
0x132: {  	[tilespmem:s6+$0x0] =	vst v6;
	v2 =	vadd.f32 v5, v2  }
0x133: {  	[tilespmem:s6+$0x10] =	vst v1;
	v0 =	vadd.f32 v0, v4  }
0x134: {  	[tilespmem:s6+$0x20] =	vst v2  }
0x135: {  	[tilespmem:s6+$0xFFFFFFC0] =	vst v0  }
0x136: {  	[hbm4b:s18+s2] =	stream.linear.scatter [tilespmem:s23], [sflag:$0x6], $0x4000, $0x38;
	[tilespmem:$0x18000] =	vst v63  }
0x137: {  	_ =	swait.ge [sflag:s31], $0x4000  }
0x138: {  	[sflag:s31] =	ssyncset.done $0x0  }
0x139: {  	s6 =	simm.s32 $0x8040;
	[sflag:s31] =	ssyncadd.s32 $0xFFFFC000  }
0x13a: {  	s7 =	simm.s32 $0x14040;
	v1 =	vld [tilespmem:s6+$0x30]  }
0x13b: {  	v2 =	vld [tilespmem:s7+$0x30]  }
0x13c: {  	v0 =	vld [tilespmem:s7+$0xFFFFFFC0]  }
0x13d: {  	v3 =	vld [tilespmem:s6+$0xFFFFFFD0]  }
0x13e: {  	v4 =	vld [tilespmem:s7+$0xFFFFFFD0]  }
0x13f: {  	v5 =	vld [tilespmem:s6+$0xFFFFFFE0]  }
0x140: {  	v6 =	vld [tilespmem:s7+$0xFFFFFFE0]  }
0x141: {  	v7 =	vld [tilespmem:s6+$0xFFFFFFF0]  }
0x142: {  	v8 =	vld [tilespmem:s7+$0xFFFFFFF0]  }
0x143: {  	v9 =	vld [tilespmem:s6+$0x0]  }
0x144: {  	v10 =	vld [tilespmem:s7+$0x0];
	v2 =	vadd.f32 v2, v1  }
0x145: {  	v4 =	vadd.f32 v4, v3;
	v1 =	vld [tilespmem:s6+$0x10]  }
0x146: {  	v5 =	vadd.f32 v6, v5;
	v3 =	vld [tilespmem:s7+$0x10];
	[tilespmem:s6+$0x30] =	vst v2  }
0x147: {  	v6 =	vadd.f32 v8, v7;
	[tilespmem:s6+$0xFFFFFFD0] =	vst v4;
	v2 =	vld [tilespmem:s6+$0x20]  }
0x148: {  	[tilespmem:s6+$0xFFFFFFE0] =	vst v5;
	v5 =	vld [tilespmem:s7+$0x20]  }
0x149: {  	s8 =	simm.s32 $0x0;
	s9 =	simm.s32 $0x80C0;
	v4 =	vld [tilespmem:s6+$0xFFFFFFC0];
	[tilespmem:s6+$0xFFFFFFF0] =	vst v6;
	v6 =	vadd.f32 v10, v9  }
.LBB2_14:
0x14a: {  	v7 =	vld [tilespmem:s9+$0x30];
	s7 =	sadd.s32 $0x80, s7  }
0x14b: {  	s8 =	sadd.s32 $0x8, s8;
	v8 =	vld [tilespmem:s7+$0x30];
	[tilespmem:s6+$0x0] =	vst v6;
	v1 =	vadd.f32 v3, v1  }
0x14c: {  	p0 =	slt.u32 s8, $0x3F8;
	v3 =	vld [tilespmem:s7+$0xFFFFFFC0]  }
0x14d: {  	v6 =	vld [tilespmem:s9+$0xFFFFFFD0];
	[tilespmem:s6+$0x10] =	vst v1;
	v1 =	vadd.f32 v5, v2  }
0x14e: {  	v2 =	vld [tilespmem:s7+$0xFFFFFFD0];
	v9 =	vadd.f32 v0, v4  }
0x14f: {  	v4 =	vld [tilespmem:s9+$0xFFFFFFE0];
	[tilespmem:s6+$0x20] =	vst v1  }
0x150: {  	v1 =	vld [tilespmem:s7+$0xFFFFFFE0];
	v5 =	vadd.f32 v8, v7;
	[tilespmem:s6+$0xFFFFFFC0] =	vst v9;
	s6 =	smov.u32 s9  }
0x151: {  	v7 =	vld [tilespmem:s9+$0xFFFFFFF0];
	v0 =	vmov v3  }
0x152: {  	v8 =	vld [tilespmem:s7+$0xFFFFFFF0];
	[tilespmem:s9+$0x30] =	vst v5  }
0x153: {  	v2 =	vadd.f32 v2, v6;
	v6 =	vld [tilespmem:s9+$0x0]  }
0x154: {  	v9 =	vld [tilespmem:s7+$0x0]  }
.Ltmp6:
0x155: {  	[tilespmem:s9+$0xFFFFFFD0] =	vst v2;
	v2 =	vadd.f32 v1, v4;
	v1 =	vld [tilespmem:s9+$0x10];
	(pc) =	sbr.rel @p0 .LBB2_14-.Ltmp6, $4  }
0x156: {  	v3 =	vld [tilespmem:s7+$0x10]  }
0x157: {  	[tilespmem:s9+$0xFFFFFFE0] =	vst v2;
	v7 =	vadd.f32 v8, v7;
	v2 =	vld [tilespmem:s9+$0x20]  }
0x158: {  	v5 =	vld [tilespmem:s7+$0x20]  }
0x159: {  	s9 =	sadd.s32 $0x80, s9;
	v4 =	vld [tilespmem:s6+$0xFFFFFFC0];
	[tilespmem:s6+$0xFFFFFFF0] =	vst v7;
	v6 =	vadd.f32 v9, v6  }
0x15a: {  	_ =	sdelay $0x1  }
0x15b: {  	v1 =	vadd.f32 v3, v1  }
0x15c: {  	[tilespmem:s6+$0x0] =	vst v6;
	v2 =	vadd.f32 v5, v2  }
0x15d: {  	[tilespmem:s6+$0x10] =	vst v1;
	v0 =	vadd.f32 v0, v4  }
0x15e: {  	[tilespmem:s6+$0x20] =	vst v2  }
0x15f: {  	[tilespmem:s6+$0xFFFFFFC0] =	vst v0  }
0x160: {  	[hbm4b:s19+s2] =	stream.linear.scatter [tilespmem:s24], [sflag:$0x7], $0x4000, $0x38;
	[tilespmem:$0x18000] =	vst v63  }
0x161: {  	_ =	swait.ge [sflag:s22], $0x4000  }
0x162: {  	[sflag:s22] =	ssyncset.done $0x0  }
0x163: {  	s6 =	simm.s32 $0xC040;
	[sflag:s22] =	ssyncadd.s32 $0xFFFFC000  }
0x164: {  	s7 =	simm.s32 $0x14040;
	v1 =	vld [tilespmem:s6+$0x30]  }
0x165: {  	v2 =	vld [tilespmem:s7+$0x30]  }
0x166: {  	v0 =	vld [tilespmem:s7+$0xFFFFFFC0]  }
0x167: {  	v3 =	vld [tilespmem:s6+$0xFFFFFFD0]  }
0x168: {  	v4 =	vld [tilespmem:s7+$0xFFFFFFD0]  }
0x169: {  	v5 =	vld [tilespmem:s6+$0xFFFFFFE0]  }
0x16a: {  	v6 =	vld [tilespmem:s7+$0xFFFFFFE0]  }
0x16b: {  	v7 =	vld [tilespmem:s6+$0xFFFFFFF0]  }
0x16c: {  	v8 =	vld [tilespmem:s7+$0xFFFFFFF0]  }
0x16d: {  	v9 =	vld [tilespmem:s6+$0x0]  }
0x16e: {  	v10 =	vld [tilespmem:s7+$0x0];
	v2 =	vadd.f32 v2, v1  }
0x16f: {  	v4 =	vadd.f32 v4, v3;
	v1 =	vld [tilespmem:s6+$0x10]  }
0x170: {  	v5 =	vadd.f32 v6, v5;
	v3 =	vld [tilespmem:s7+$0x10];
	[tilespmem:s6+$0x30] =	vst v2  }
0x171: {  	v6 =	vadd.f32 v8, v7;
	[tilespmem:s6+$0xFFFFFFD0] =	vst v4;
	v2 =	vld [tilespmem:s6+$0x20]  }
0x172: {  	[tilespmem:s6+$0xFFFFFFE0] =	vst v5;
	v5 =	vld [tilespmem:s7+$0x20]  }
0x173: {  	s8 =	simm.s32 $0x0;
	s9 =	simm.s32 $0xC0C0;
	v4 =	vld [tilespmem:s6+$0xFFFFFFC0];
	[tilespmem:s6+$0xFFFFFFF0] =	vst v6;
	v6 =	vadd.f32 v10, v9  }
.LBB2_16:
0x174: {  	v7 =	vld [tilespmem:s9+$0x30];
	s7 =	sadd.s32 $0x80, s7  }
0x175: {  	s8 =	sadd.s32 $0x8, s8;
	v8 =	vld [tilespmem:s7+$0x30];
	[tilespmem:s6+$0x0] =	vst v6;
	v1 =	vadd.f32 v3, v1  }
0x176: {  	p0 =	slt.u32 s8, $0x3F8;
	v3 =	vld [tilespmem:s7+$0xFFFFFFC0]  }
0x177: {  	v6 =	vld [tilespmem:s9+$0xFFFFFFD0];
	[tilespmem:s6+$0x10] =	vst v1;
	v1 =	vadd.f32 v5, v2  }
0x178: {  	v2 =	vld [tilespmem:s7+$0xFFFFFFD0];
	v9 =	vadd.f32 v0, v4  }
0x179: {  	v4 =	vld [tilespmem:s9+$0xFFFFFFE0];
	[tilespmem:s6+$0x20] =	vst v1  }
0x17a: {  	v1 =	vld [tilespmem:s7+$0xFFFFFFE0];
	v5 =	vadd.f32 v8, v7;
	[tilespmem:s6+$0xFFFFFFC0] =	vst v9;
	s6 =	smov.u32 s9  }
0x17b: {  	v7 =	vld [tilespmem:s9+$0xFFFFFFF0];
	v0 =	vmov v3  }
0x17c: {  	v8 =	vld [tilespmem:s7+$0xFFFFFFF0];
	[tilespmem:s9+$0x30] =	vst v5  }
0x17d: {  	v2 =	vadd.f32 v2, v6;
	v6 =	vld [tilespmem:s9+$0x0]  }
0x17e: {  	v9 =	vld [tilespmem:s7+$0x0]  }
.Ltmp7:
0x17f: {  	[tilespmem:s9+$0xFFFFFFD0] =	vst v2;
	v2 =	vadd.f32 v1, v4;
	v1 =	vld [tilespmem:s9+$0x10];
	(pc) =	sbr.rel @p0 .LBB2_16-.Ltmp7, $4  }
0x180: {  	v3 =	vld [tilespmem:s7+$0x10]  }
0x181: {  	[tilespmem:s9+$0xFFFFFFE0] =	vst v2;
	v7 =	vadd.f32 v8, v7;
	v2 =	vld [tilespmem:s9+$0x20]  }
0x182: {  	v5 =	vld [tilespmem:s7+$0x20]  }
0x183: {  	s9 =	sadd.s32 $0x80, s9;
	v4 =	vld [tilespmem:s6+$0xFFFFFFC0];
	[tilespmem:s6+$0xFFFFFFF0] =	vst v7;
	v6 =	vadd.f32 v9, v6  }
0x184: {  	_ =	sdelay $0x1  }
0x185: {  	v1 =	vadd.f32 v3, v1  }
0x186: {  	[tilespmem:s6+$0x0] =	vst v6;
	v2 =	vadd.f32 v5, v2  }
0x187: {  	[tilespmem:s6+$0x10] =	vst v1;
	v0 =	vadd.f32 v0, v4  }
0x188: {  	[tilespmem:s6+$0x20] =	vst v2  }
0x189: {  	[tilespmem:s6+$0xFFFFFFC0] =	vst v0  }
0x18a: {  	[hbm4b:s20+s2] =	stream.linear.scatter [tilespmem:s28], [sflag:$0x8], $0x4000, $0x38;
	[tilespmem:$0x18000] =	vst v63  }
0x18b: {  	_ =	swait.ge [sflag:s30], $0x4000  }
0x18c: {  	[sflag:s30] =	ssyncset.done $0x0  }
0x18d: {  	[sflag:s30] =	ssyncadd.s32 $0xFFFFC000  }
0x18e: {  	_ =	swait.ge [sflag:s0], $0x4000  }
0x18f: {  	[sflag:s0] =	ssyncset.done $0x0  }
0x190: {  	s5 =	sadd.s32 $0x1, s5;
	[sflag:s0] =	ssyncadd.s32 $0xFFFFC000  }
0x191: {  	p0 =	sne.s32 s5, s21;
	_ =	swait.ge [sflag:s1], $0x4000  }
.Ltmp8:
0x192: {  	[sflag:s1] =	ssyncset.done $0x0;
	(pc) =	sbr.rel @p0 .LBB2_1-.Ltmp8, $4  }
0x193: {  	[sflag:s1] =	ssyncadd.s32 $0xFFFFC000  }
0x194: {  	_ =	swait.ge [sflag:s4], $0x4000  }
0x195: {  	[sflag:s4] =	ssyncset.done $0x0  }
0x196: {  	[sflag:s4] =	ssyncadd.s32 $0xFFFFC000  }
0x197: {  	_ =	sfence.sel $0x180000  }
0x198: {  	[bflag:$0x0] =	sbarrier.arrive $0xFFFF  }
0x199: {  	_ =	strace $0x9000004D  }
0x19a: {  	s0 =	stileid.u32;
	[bflag:$0x2] =	sbarrier.arrive $0xFFFF  }
0x19b: {  	p0 =	sne.s32 s0, $0x0;
	s0 =	rddreg [dreg:$0x2]  }
0x19c: {  	s0 =	sadd.s32 @!p0 $0x100000, s0  }
0x19d: {  	[sflag:s0] =	ssyncadd.tile.s32 @!p0 $0x1;
	_ =	shalt  }
.Lfunc_end2:
_tile_overlayer_lowered:
.L_overlay_start_2:
0x19e: {  	(tag) =	ssettag $0x2  }
0x19f: {  	s0 =	rddreg [dreg:$0x0];
	s2 =	stileid.u32  }
0x1a0: {  	s1 =	rddreg [dreg:$0x1];
	p0 =	sne.s32 s2, $0x0  }
0x1a1: {  	s3 =	rddreg [dreg:$0x2];
	[bflag:$0x3] =	sbarrier.arrive $0xFFFF;
	s2 =	simm.s32 @!p0 $0x1C0B  }
0x1a2: {  	[timem:s3], [sflag:s2] =	dma.local @!p0 [hbm:s0], s1  }
0x1a3: {  	s0 =	simm.s32 @!p0 $0xB  }
0x1a4: {  	_ =	swait.ge @!p0 [sflag:s0], s1  }
0x1a5: {  	s1 =	ssub.s32 @!p0 $0x0, s1;
	[sflag:s0] =	ssyncset.done @!p0 $0x0  }
0x1a6: {  	[sflag:s0] =	ssyncadd.s32 @!p0 s1  }
0x1a7: {  	[bflag:$0x3] =	sbarrier.arrive $0xFFFF  }
0x1a8: {  	_ =	shalt  }

// kernel: sparse-core-data-format-call.1.cloned.1.call-start
scs
called_computation.1_lowered:
.L_overlay_start_0:
0x0: {  	s2 =	sld [smem:$0x3FD9]  }
0x1: {  	s3 =	sld [smem:$0x3FFE];
	_ =	sdelay $0x1  }
0x2: {  	s1 =	srdreg.scid  }
0x3: {  	s0 =	sand.u32 $0x1, s1  }
0x4: {  	s19 =	sshll.u32 s0, $0xA;
	s2 =	sadd.s32 s3, s2  }
0x5: {  	s2 =	sadd.s32 s2, s19  }
0x6: {  	[smem:$0x3FC6] =	sst s2  }
0x7: {  	_ = 	snop  }
0x8: {  	s20 =	sld [smem:$0x3FC9]  }
0x9: {  	s4 =	sld [smem:$0x3FD0];
	(tm) =	ssettm $0x1  }
0xa: {  	s21 =	sld [smem:$0x3FFB];
	_ =	sdelay $0x3  }
0xb: {  	_ =	strace s21  }
0xc: {  	s2 =	sld [smem:$0x3FFC];
	_ =	sdelay $0x3  }
0xd: {  	_ =	strace s2  }
0xe: {  	s2 =	sld [smem:$0x3FFD];
	_ =	sdelay $0x3  }
0xf: {  	_ =	strace s2  }
0x10: {  	_ =	strace $0x8FFFFFFF  }
0x11: {  	s22 =	sld [smem:$0x3FDB];
	_ =	sdelay $0x1  }
0x12: {  	s5 =	simm.s32 $_scs_section_size  }
0x13: {  	s6 =	simm.s32 $_size__tile_overlayer_lowered;
	s7 =	simm.s32 $_tile_overlayer_lowered  }
0x14: {  	s8 =	simm.s32 $0x1BFF;
	s23 =	sshll.u32 s7, $0x1;
	s5 =	sadd.s32 s5, s22  }
0x15: {  	s24 =	simm.s32 $0x0;
	s6 =	sshll.u32 s6, $0x1;
	s7 =	sadd.s32 s23, s5  }
0x16: {  	[timem:s24], [sflag:s8] =	dma.local [hbm:s7], s6  }
0x17: {  	_ =	swait.ge [sflag:s8], s6  }
0x18: {  	s6 =	ssub.s32 $0x0, s6;
	[sflag:s8] =	ssyncset.done $0x0  }
0x19: {  	[sflag:s8] =	ssyncadd.s32 s6;
	_ =	sdelay $0x1  }
0x1a: {  	s25 =	simm.s32 $0x1B8B  }
0x1b: {  	_ =	swait.ge [sflag:s25], $0x1  }
0x1c: {  	[sflag:s25] =	ssyncset.done $0x0  }
0x1d: {  	[sflag:s25] =	ssyncadd.s32 $0xFFFFFFFF  }
0x1e: {  	s6 =	sld [smem:$0x0]  }
0x1f: {  	s7 =	sand.u32 $0xFFFFFFFE, s1  }
0x20: {  	p0 =	sne.s32 s1, s7  }
0x21: {  	s7 =	sshll.u32 @p0 s7, $0xE  }
0x22: {  	s7 =	sadd.s32 @p0 $0x11B8D, s7;
	s8 =	sshll.u32 @p0 s6, $0x11  }
0x23: {  	s7 =	sor.u32 @p0 s8, s7  }
0x24: {  	[sflag:s7] =	ssyncadd.remote.s32 @p0 $0x1;
	_ =	sdelay $0x1  }
0x25: {  	s7 =	simm.s32 @p0 $0x1B8D  }
0x26: {  	_ =	swait.eq @p0 [sflag:s7], $0x1  }
0x27: {  	[sflag:s7] =	ssyncadd.s32 @p0 $0xFFFFFFFF  }
0x28: {  	s8 =	sshll.u32 @!p0 s1, $0xE  }
0x29: {  	s8 =	sor.u32 @!p0 $0x4000, s8;
	s7 =	simm.s32 @!p0 $0x1B8D  }
0x2a: {  	s6 =	sshll.u32 @!p0 s6, $0x11;
	s8 =	sadd.s32 @!p0 $0x11B8D, s8;
	_ =	swait.eq @!p0 [sflag:s7], $0x1  }
0x2b: {  	s6 =	sor.u32 @!p0 s6, s8;
	[sflag:s7] =	ssyncadd.s32 @!p0 $0xFFFFFFFF  }
0x2c: {  	s26 =	simm.s32 $0x1B8E;
	[sflag:s6] =	ssyncadd.remote.s32 @!p0 $0x1  }
0x2d: {  	s27 =	simm.s32 $execute0_lowered;
	[smem:$0x3FD2] =	sst s26  }
0x2e: {  	s6 =	sshll.u32 s27, $0x1;
	_ =	strace $0x80000049;
	[dreg:$0x1] =	wrdreg $0xFFFFFFFF  }
0x2f: {  	s28 =	simm.s32 $_size_execute0_lowered;
	s5 =	sadd.s32 s5, s6;
	[dreg:$0x0] =	wrdreg $0x0  }
0x30: {  	s6 =	sshll.u32 s28, $0x1;
	[dreg:$0x2] =	wrdreg s5  }
0x31: {  	[dreg:$0x3] =	wrdreg s6  }
0x32: {  	[dreg:$0x4] =	wrdreg $0xC0  }
0x33: {  	_ =	task [dreg:s24], $0x5FFFF  }
0x34: {  	[dreg:$0x1] =	wrdreg $0xFFFFFFFF  }
0x35: {  	[dreg:$0x0] =	wrdreg $0x60  }
0x36: {  	[dreg:$0x2] =	wrdreg s20  }
0x37: {  	[dreg:$0x3] =	wrdreg s4  }
0x38: {  	[dreg:$0x4] =	wrdreg $0xA  }
0x39: {  	_ =	task.clear_ibuf [dreg:s24], $0x5FFFF;
	_ =	strace $0x90000049  }
0x3a: {  	s29 =	simm.s32 $0xA;
	_ =	strace $0x8000004B  }
0x3b: {  	_ =	swait.ge [sflag:s29], $0x1  }
0x3c: {  	[sflag:s29] =	ssyncadd.s32 $0xFFFFFFFF  }
0x3d: {  	_ =	strace $0x9000004B  }
0x3e: {  	_ =	sfence  }
0x3f: {  	s30 =	sld [smem:$0x0];
	_ =	sdelay $0x2  }
0x40: {  	s31 =	sshll.u32 s1, $0xD;
	s1 =	sshrl.u32 s1, $0x2  }
0x41: {  	s4 =	sand.u32 $0x4000, s31;
	s1 =	sadd.s32 s1, s30  }
0x42: {  	s0 =	sor.u32 s4, s0;
	s1 =	sshll.u32 s1, $0x11  }
0x43: {  	s0 =	sor.u32 s1, s0  }
0x44: {  	s0 =	sadd.s32 $0x8F2B, s0  }
0x45: {  	[sflag:s0] =	ssyncadd.remote.s32 $0x1  }
0x46: {  	_ =	sfence.sel $0xFFFF  }
0x47: {  	[dreg:$0x0] =	wrdreg $0xFFFFFFFF;
	(pc) =	sbr.abs _section_cstart, $3  }
0x48: {  	[dreg:$0x1] =	wrdreg $0xFFFFFFFF  }
0x49: {  	_ =	task.clear_ibuf [dreg:s24], $0x2FFFF;
	_ =	strace $0x9FFFFFFF  }
0x4a: {  	(tm) =	ssettm $0x7FFFFFFF  }
0x4b: {  	_ =	shalt  }
tec
execute0_lowered:
.L_overlay_start_1:
0x0: {  	(tag) =	ssettag $0x1  }
0x1: {  	s0 =	srdreg.scid  }
0x2: {  	s1 =	sshll.u32 s0, $0x4  }
0x3: {  	s2 =	rddreg [dreg:$0x0];
	s0 =	stileid.u32;
	s1 =	sand.u32 $0x10, s1  }
0x4: {  	s4 =	rddreg [dreg:$0x1];
	s1 =	sor.u32 s0, s1  }
0x5: {  	s7 =	simm.s32 $0x1;
	s8 =	simm.s32 $0x2;
	s3 =	sshll.u32 s1, $0x1  }
0x6: {  	s9 =	simm.s32 $0x0;
	s12 =	simm.s32 $0x0;
	s6 =	ssub.s32 $0x1000, s3  }
.Ltmp0:
0x7: {  	s11 =	simm.s32 $0x0;
	s5 =	sand.u32 $0x3E, s6;
	(pc) =	sbr.rel .LBB1_1-.Ltmp0, $4  }
0x8: {  	s1 =	rddreg [dreg:$0x2];
	_ =	strace $0x8000004A;
	p0 =	sne.s32 s5, $0x0  }
0x9: {  	s6 =	sshrl.u32 s6, $0x6;
	s5 =	simm.s32 $0x1;
	s7 =	simm.s32 @!p0 $0x0  }
0xa: {  	s10 =	smov.u32 s3;
	[sflag:s5] =	ssyncpa.u1 $0x0;
	s6 =	sadd.s32 s7, s6  }
0xb: {  	[sflag:s8] =	ssyncpa.u1 $0x0;
	s8 =	simm.s32 $0x0;
	s7 =	sadd.s32 $0x1, s6  }
.LBB1_9:
0xc: {  	s14 =	sadd.s32 $0x40, s10  }
0xd: {  	p1 =	sgt.s32 s14, $0xFFF  }
0xe: {  	s14 =	smov.u32 @p1 s3;
	p1 =	sne.s32 s11, s7  }
.Ltmp1:
0xf: {  	p0 =	slt.u32 s11, $0x2;
	(pc) =	sbr.rel @!p1 .LBB1_10-.Ltmp1, $4  }
0x10: {  	s13 =	simm.s32 @!p0 $0x2  }
0x11: {  	s15 =	sadd.s32 $0x1, s11;
	_ =	swait.ge @!p0 [sflag:s13], $0x4000  }
0x12: {  	s12 =	smov.u32 s10;
	s9 =	sadd.s32 $0x4000, s9;
	[sflag:s13] =	ssyncset.done @!p0 $0x0  }
0x13: {  	s11 =	smov.u32 s15;
	s10 =	smov.u32 s14;
	[sflag:s13] =	ssyncadd.s32 @!p0 $0xFFFFC000  }
.LBB1_1:
0x14: {  	p0 =	sge.u32 s11, s6  }
0x15: {  	s13 =	sxor.u32 @!p0 $0xFFFFFFFF, s11  }
0x16: {  	s31 =	sadd.s32 $0xFFFFFFFF, s11;
	s14 =	sshll.u32 @!p0 s10, $0xA;
	s13 =	sshll.u32 @!p0 s13, $0xE  }
0x17: {  	s15 =	simm.s32 @!p0 $0x0;
	s14 =	sadd.s32 @!p0 s2, s14;
	s13 =	sand.u32 @!p0 $0x4000, s13  }
0x18: {  	[tilespmem:s13], [sflag:$0x1] =	stream.linear.gather @!p0 [hbm4b:s14+s15], $0x4000, $0x38;
	[tilespmem:$0x10000] =	vst v63  }
0x19: {  	p0 =	sge.u32 s31, s6  }
.Ltmp2:
0x1a: {  	_ = 	snop;
	(pc) =	sbr.rel @p0 .LBB1_9-.Ltmp2, $1  }
0x1b: {  	_ =	sdelay $0x3  }
0x1c: {  	s13 =	sshll.u32 s9, $0x2  }
0x1d: {  	_ =	swait.ge [sflag:s5], $0x4000;
	s14 =	sshll.u32 s11, $0xE;
	s16 =	simm.s32 $0x0  }
0x1e: {  	p1 =	por $0x1, $0x1;
	s13 =	sand.u32 $0x10000, s13;
	[sflag:s5] =	ssyncset.done $0x0  }
0x1f: {  	s14 =	sand.u32 $0x4000, s14;
	s15 =	sshrl.u32 s13, $0x2;
	[sflag:s5] =	ssyncadd.s32 $0xFFFFC000  }
0x20: {  	s13 =	sor.u32 $0x8000, s14;
	s14 =	sadd.s32 $0x8040, s15;
	s15 =	sadd.s32 $0x40, s15  }
.LBB1_3:
0x21: {  	s16 =	sshll.u32 s16, $0x2  }
0x22: {  	p0 =	por p1, p1;
	s17 =	sshra.s32 s16, $0x2  }
0x23: {  	s18 =	simm.s32 $0x0;
	s16 =	sadd.s32 s17, s14;
	s17 =	sadd.s32 s17, s15  }
.LBB1_4:
0x24: {  	v0 =	vmov s17;
	_ =	sdelay $0x3  }
0x25: {  	s20 =	simm.s32 $0x0  }
0x26: {  	v6 =	vld.idx.msk [tilespmem:v0+s20+$0x30 ss:$0x1], $0xffff  }
0x27: {  	v7 =	vld.idx.msk [tilespmem:v0+s20+$0xFFFFFFC0 ss:$0x1], $0xffff  }
0x28: {  	v5 =	vld.idx.msk [tilespmem:v0+s20+$0xFFFFFFD0 ss:$0x1], $0xffff  }
0x29: {  	v4 =	vld.idx.msk [tilespmem:v0+s20+$0xFFFFFFE0 ss:$0x1], $0xffff  }
0x2a: {  	v3 =	vld.idx.msk [tilespmem:v0+s20+$0xFFFFFFF0 ss:$0x1], $0xffff  }
0x2b: {  	v1 =	vld.idx.msk [tilespmem:v0+s20+$0x0 ss:$0x1], $0xffff  }
0x2c: {  	v2 =	vld.idx.msk [tilespmem:v0+s20+$0x10 ss:$0x1], $0xffff;
	[tilespmem:s16+$0x30] =	vst v6  }
0x2d: {  	s19 =	simm.s32 $0x80;
	s21 =	simm.s32 $0x400;
	[tilespmem:s16+$0xFFFFFFC0] =	vst v7;
	v6 =	vld.idx.msk [tilespmem:v0+s20+$0x20 ss:$0x1], $0xffff;
	s20 =	smov.u32 s16  }
.LBB1_5:
0x2e: {  	p1 =	sne.s32 s21, $0xE00;
	v7 =	vld.idx.msk [tilespmem:v0+s19+$0x30 ss:$0x1], $0xffff;
	[tilespmem:s20+$0xFFFFFFD0] =	vst v5  }
0x2f: {  	v8 =	vld.idx.msk [tilespmem:v0+s19+$0xFFFFFFC0 ss:$0x1], $0xffff;
	[tilespmem:s20+$0xFFFFFFE0] =	vst v4  }
0x30: {  	v5 =	vld.idx.msk [tilespmem:v0+s19+$0xFFFFFFD0 ss:$0x1], $0xffff;
	[tilespmem:s20+$0xFFFFFFF0] =	vst v3  }
.Ltmp3:
0x31: {  	v4 =	vld.idx.msk [tilespmem:v0+s19+$0xFFFFFFE0 ss:$0x1], $0xffff;
	[tilespmem:s20+$0x0] =	vst v1;
	(pc) =	sbr.rel @p1 .LBB1_5-.Ltmp3, $4  }
0x32: {  	v3 =	vld.idx.msk [tilespmem:v0+s19+$0xFFFFFFF0 ss:$0x1], $0xffff;
	[tilespmem:s20+$0x10] =	vst v2  }
0x33: {  	v1 =	vld.idx.msk [tilespmem:v0+s19+$0x0 ss:$0x1], $0xffff;
	[tilespmem:s20+$0x20] =	vst v6;
	s20 =	sadd.s32 $0x400, s20  }
0x34: {  	v2 =	vld.idx.msk [tilespmem:v0+s19+$0x10 ss:$0x1], $0xffff;
	[tilespmem:s20+$0x30] =	vst v7  }
0x35: {  	[tilespmem:s20+$0xFFFFFFC0] =	vst v8;
	v6 =	vld.idx.msk [tilespmem:v0+s19+$0x20 ss:$0x1], $0xffff;
	s19 =	sshra.s32 s21, $0x2;
	s21 =	sadd.s32 $0x200, s21  }
0x36: {  	_ =	sdelay $0x2  }
0x37: {  	[tilespmem:s20+$0xFFFFFFD0] =	vst v5  }
0x38: {  	v56 =	vld.idx.msk [tilespmem:v0+s19+$0x30 ss:$0x1], $0xffff;
	[tilespmem:s20+$0xFFFFFFE0] =	vst v4  }
0x39: {  	v57 =	vld.idx.msk [tilespmem:v0+s19+$0xFFFFFFC0 ss:$0x1], $0xffff;
	[tilespmem:s20+$0xFFFFFFF0] =	vst v3  }
0x3a: {  	v58 =	vld.idx.msk [tilespmem:v0+s19+$0xFFFFFFD0 ss:$0x1], $0xffff;
	[tilespmem:s20+$0x0] =	vst v1  }
0x3b: {  	v59 =	vld.idx.msk [tilespmem:v0+s19+$0xFFFFFFE0 ss:$0x1], $0xffff;
	[tilespmem:s20+$0x10] =	vst v2  }
0x3c: {  	v60 =	vld.idx.msk [tilespmem:v0+s19+$0xFFFFFFF0 ss:$0x1], $0xffff;
	s31 =	sadd.s32 $0x400, s20;
	[tilespmem:s20+$0x20] =	vst v6  }
0x3d: {  	v61 =	vld.idx.msk [tilespmem:v0+s19+$0x0 ss:$0x1], $0xffff;
	[tilespmem:s31+$0x30] =	vst v56  }
0x3e: {  	v62 =	vld.idx.msk [tilespmem:v0+s19+$0x10 ss:$0x1], $0xffff;
	s18 =	sadd.s32 $0x1, s18;
	[tilespmem:s31+$0xFFFFFFC0] =	vst v57  }
0x3f: {  	v63 =	vld.idx.msk [tilespmem:v0+s19+$0x20 ss:$0x1], $0xffff;
	p1 =	sne.s32 s18, $0x8;
	[tilespmem:s31+$0xFFFFFFD0] =	vst v58  }
.Ltmp4:
0x40: {  	[tilespmem:s31+$0xFFFFFFE0] =	vst v59;
	(pc) =	sbr.rel @p1 .LBB1_4-.Ltmp4, $4  }
0x41: {  	[tilespmem:s31+$0xFFFFFFF0] =	vst v60  }
0x42: {  	[tilespmem:s31+$0x0] =	vst v61  }
0x43: {  	[tilespmem:s31+$0x10] =	vst v62  }
0x44: {  	s16 =	sadd.s32 $0x80, s16;
	s17 =	sadd.s32 $0x400, s17;
	[tilespmem:s31+$0x20] =	vst v63  }
.Ltmp5:
0x45: {  	(pc) =	sbr.rel @p0 .LBB1_3-.Ltmp5, $2  }
0x46: {  	_ =	sdelay $0x2  }
0x47: {  	s16 =	simm.s32 $0x2000;
	p1 =	por $0x0, $0x0  }
.Ltmp6:
0x48: {  	(pc) =	sbr.rel .LBB1_9-.Ltmp6, $4  }
0x49: {  	_ = 	snop  }
0x4a: {  	s12 =	sshll.u32 s12, $0xA  }
0x4b: {  	s12 =	sadd.s32 s4, s12  }
0x4c: {  	[hbm4b:s12+s8] =	stream.linear.scatter [tilespmem:s13], [sflag:$0x2], $0x4000, $0x38;
	[tilespmem:$0x10000] =	vst v63  }
.LBB1_10:
0x4d: {  	_ =	sfence.sel $0x180000  }
0x4e: {  	s2 =	simm.s32 $0x1;
	[bflag:$0x0] =	sbarrier.arrive $0xFFFF  }
0x4f: {  	s31 =	simm.s32 $0x2;
	[sflag:s2] =	ssyncpa.u1 $0x1  }
0x50: {  	[sflag:s31] =	ssyncpa.u1 $0x1  }
0x51: {  	p0 =	sne.s32 s0, $0x0;
	_ =	strace $0x9000004A  }
0x52: {  	s0 =	sadd.s32 @!p0 $0x100000, s1;
	[bflag:$0x2] =	sbarrier.arrive $0xFFFF  }
0x53: {  	[sflag:s0] =	ssyncadd.tile.s32 @!p0 $0x1;
	_ =	shalt  }
.Lfunc_end1:
_tile_overlayer_lowered:
.L_overlay_start_2:
0x54: {  	(tag) =	ssettag $0x2  }
0x55: {  	s0 =	rddreg [dreg:$0x0];
	s2 =	stileid.u32  }
0x56: {  	s1 =	rddreg [dreg:$0x1];
	p0 =	sne.s32 s2, $0x0  }
0x57: {  	s3 =	rddreg [dreg:$0x2];
	[bflag:$0x3] =	sbarrier.arrive $0xFFFF;
	s2 =	simm.s32 @!p0 $0x1C01  }
0x58: {  	[timem:s3], [sflag:s2] =	dma.local @!p0 [hbm:s0], s1  }
0x59: {  	s0 =	simm.s32 @!p0 $0x1  }
0x5a: {  	_ =	swait.ge @!p0 [sflag:s0], s1  }
0x5b: {  	s1 =	ssub.s32 @!p0 $0x0, s1;
	[sflag:s0] =	ssyncset.done @!p0 $0x0  }
0x5c: {  	[sflag:s0] =	ssyncadd.s32 @!p0 s1  }
0x5d: {  	[bflag:$0x3] =	sbarrier.arrive $0xFFFF  }
0x5e: {  	_ =	shalt  }

// kernel: sparse-core-data-format-call.cloned.1.call-start
scs
called_computation_lowered:
.L_overlay_start_0:
0x0: {  	s2 =	sld [smem:$0x3FD9]  }
0x1: {  	s3 =	sld [smem:$0x3FFE];
	_ =	sdelay $0x1  }
0x2: {  	s1 =	srdreg.scid  }
0x3: {  	s0 =	sand.u32 $0x1, s1  }
0x4: {  	s18 =	sshll.u32 s0, $0xA;
	s2 =	sadd.s32 s3, s2  }
0x5: {  	s2 =	sadd.s32 s2, s18  }
0x6: {  	[smem:$0x3FC6] =	sst s2  }
0x7: {  	_ = 	snop  }
0x8: {  	s2 =	sld [smem:$0x3FC8];
	(tm) =	ssettm $0x1  }
0x9: {  	s19 =	sld [smem:$0x3FFB];
	_ =	sdelay $0x3  }
0xa: {  	_ =	strace s19  }
0xb: {  	s3 =	sld [smem:$0x3FFC];
	_ =	sdelay $0x3  }
0xc: {  	_ =	strace s3  }
0xd: {  	s3 =	sld [smem:$0x3FFD];
	_ =	sdelay $0x3  }
0xe: {  	_ =	strace s3  }
0xf: {  	_ =	strace $0x8FFFFFFF  }
0x10: {  	s20 =	sld [smem:$0x3FDB];
	_ =	sdelay $0x1  }
0x11: {  	s4 =	simm.s32 $_scs_section_size  }
0x12: {  	s5 =	simm.s32 $_size__tile_overlayer_lowered;
	s6 =	simm.s32 $_tile_overlayer_lowered  }
0x13: {  	s23 =	simm.s32 $0x1BFF;
	s22 =	sshll.u32 s6, $0x1;
	s3 =	sadd.s32 s4, s20  }
0x14: {  	s7 =	simm.s32 $0x0;
	s21 =	sshll.u32 s5, $0x1;
	s5 =	sadd.s32 s22, s3  }
0x15: {  	[timem:s7], [sflag:s23] =	dma.local [hbm:s5], s21  }
0x16: {  	_ =	swait.ge [sflag:s23], s21  }
0x17: {  	s4 =	ssub.s32 $0x0, s21;
	[sflag:s23] =	ssyncset.done $0x0  }
0x18: {  	[sflag:s23] =	ssyncadd.s32 s4;
	_ =	sdelay $0x1  }
0x19: {  	s24 =	simm.s32 $0x1B8B  }
0x1a: {  	_ =	swait.ge [sflag:s24], $0x1  }
0x1b: {  	[sflag:s24] =	ssyncset.done $0x0  }
0x1c: {  	s26 =	simm.s32 $0x1B8E;
	s25 =	sld [smem:$0x3FFE];
	[sflag:s24] =	ssyncadd.s32 $0xFFFFFFFF  }
0x1d: {  	s27 =	simm.s32 $execute0_lowered;
	[smem:$0x3FD2] =	sst s26  }
0x1e: {  	s5 =	sshll.u32 s27, $0x1;
	_ =	strace $0x80000046;
	[dreg:$0x1] =	wrdreg $0xFFFFFFFF  }
0x1f: {  	s28 =	simm.s32 $_size_execute0_lowered;
	s3 =	sadd.s32 s3, s5;
	[dreg:$0x0] =	wrdreg $0x0  }
0x20: {  	s5 =	sshll.u32 s28, $0x1;
	[dreg:$0x2] =	wrdreg s3  }
0x21: {  	[dreg:$0x3] =	wrdreg s5  }
0x22: {  	[dreg:$0x4] =	wrdreg $0xC0  }
0x23: {  	_ =	task [dreg:s7], $0x5FFFF  }
0x24: {  	[dreg:$0x1] =	wrdreg $0xFFFFFFFF  }
0x25: {  	[dreg:$0x0] =	wrdreg $0x60  }
0x26: {  	[dreg:$0x2] =	wrdreg s2  }
0x27: {  	[dreg:$0x3] =	wrdreg s25  }
0x28: {  	[dreg:$0x4] =	wrdreg $0x9  }
0x29: {  	_ =	task.clear_ibuf [dreg:s7], $0x5FFFF;
	_ =	strace $0x90000046  }
0x2a: {  	s29 =	simm.s32 $0x9;
	_ =	strace $0x80000048  }
0x2b: {  	_ =	swait.ge [sflag:s29], $0x1  }
0x2c: {  	[sflag:s29] =	ssyncadd.s32 $0xFFFFFFFF  }
0x2d: {  	_ =	strace $0x90000048  }
0x2e: {  	_ =	sfence  }
0x2f: {  	s30 =	sld [smem:$0x0];
	_ =	sdelay $0x2  }
0x30: {  	s31 =	sshll.u32 s1, $0xD;
	s1 =	sshrl.u32 s1, $0x2  }
0x31: {  	s3 =	sand.u32 $0x4000, s31;
	s1 =	sadd.s32 s1, s30  }
0x32: {  	s0 =	sor.u32 s3, s0;
	s1 =	sshll.u32 s1, $0x11  }
0x33: {  	s0 =	sor.u32 s1, s0  }
0x34: {  	s0 =	sadd.s32 $0x8F2B, s0  }
0x35: {  	[sflag:s0] =	ssyncadd.remote.s32 $0x1  }
0x36: {  	_ =	sfence.sel $0xFFFF  }
0x37: {  	[dreg:$0x0] =	wrdreg $0xFFFFFFFF;
	(pc) =	sbr.abs _section_cstart, $3  }
0x38: {  	[dreg:$0x1] =	wrdreg $0xFFFFFFFF  }
0x39: {  	_ =	task.clear_ibuf [dreg:s7], $0x2FFFF;
	_ =	strace $0x9FFFFFFF  }
0x3a: {  	(tm) =	ssettm $0x7FFFFFFF  }
0x3b: {  	_ =	shalt  }
tec
execute0_lowered:
.L_overlay_start_1:
0x0: {  	(tag) =	ssettag $0x1  }
0x1: {  	s0 =	srdreg.scid  }
0x2: {  	s1 =	sshll.u32 s0, $0x4  }
0x3: {  	s2 =	rddreg [dreg:$0x0];
	s0 =	stileid.u32;
	s1 =	sand.u32 $0x10, s1  }
0x4: {  	s4 =	rddreg [dreg:$0x1];
	s7 =	simm.s32 $0x1;
	s1 =	sor.u32 s0, s1  }
0x5: {  	s8 =	simm.s32 $0x2;
	s9 =	simm.s32 $0x0;
	s3 =	sshll.u32 s1, $0x1  }
0x6: {  	s12 =	simm.s32 $0x0;
	s11 =	simm.s32 $0x0;
	s6 =	ssub.s32 $0x400, s3  }
.Ltmp0:
0x7: {  	s4 =	sadd.s32 $0xE00, s4;
	s5 =	sand.u32 $0x3E, s6;
	(pc) =	sbr.rel .LBB1_1-.Ltmp0, $4  }
0x8: {  	s1 =	rddreg [dreg:$0x2];
	_ =	strace $0x80000047;
	p0 =	sne.s32 s5, $0x0  }
0x9: {  	s6 =	sshrl.u32 s6, $0x6;
	s5 =	simm.s32 $0x1;
	s7 =	simm.s32 @!p0 $0x0  }
0xa: {  	s10 =	smov.u32 s3;
	[sflag:s5] =	ssyncpa.u1 $0x0;
	s6 =	sadd.s32 s7, s6  }
0xb: {  	[sflag:s8] =	ssyncpa.u1 $0x0;
	s8 =	simm.s32 $0x0;
	s7 =	sadd.s32 $0x1, s6  }
.LBB1_9:
0xc: {  	s14 =	sadd.s32 $0x40, s10  }
0xd: {  	p1 =	sgt.s32 s14, $0x3FF  }
0xe: {  	s14 =	smov.u32 @p1 s3;
	p1 =	sne.s32 s11, s7  }
.Ltmp1:
0xf: {  	p0 =	slt.u32 s11, $0x2;
	(pc) =	sbr.rel @!p1 .LBB1_10-.Ltmp1, $4  }
0x10: {  	s13 =	simm.s32 @!p0 $0x2  }
0x11: {  	s15 =	sadd.s32 $0x1, s11;
	_ =	swait.ge @!p0 [sflag:s13], $0x4000  }
0x12: {  	s12 =	smov.u32 s10;
	s9 =	sadd.s32 $0x4000, s9;
	[sflag:s13] =	ssyncset.done @!p0 $0x0  }
0x13: {  	s11 =	smov.u32 s15;
	s10 =	smov.u32 s14;
	[sflag:s13] =	ssyncadd.s32 @!p0 $0xFFFFC000  }
.LBB1_1:
0x14: {  	p0 =	sge.u32 s11, s6  }
0x15: {  	s13 =	sxor.u32 @!p0 $0xFFFFFFFF, s11  }
0x16: {  	s31 =	sadd.s32 $0xFFFFFFFF, s11;
	s14 =	sshll.u32 @!p0 s10, $0xA;
	s13 =	sshll.u32 @!p0 s13, $0xE  }
0x17: {  	s15 =	simm.s32 @!p0 $0x0;
	s14 =	sadd.s32 @!p0 s2, s14;
	s13 =	sand.u32 @!p0 $0x4000, s13  }
0x18: {  	[tilespmem:s13], [sflag:$0x1] =	stream.linear.gather @!p0 [hbm4b:s14+s15], $0x4000, $0x38;
	[tilespmem:$0x10000] =	vst v63  }
0x19: {  	p0 =	sge.u32 s31, s6  }
.Ltmp2:
0x1a: {  	_ = 	snop;
	(pc) =	sbr.rel @p0 .LBB1_9-.Ltmp2, $1  }
0x1b: {  	_ =	sdelay $0x3  }
0x1c: {  	s13 =	sshll.u32 s9, $0x2  }
0x1d: {  	_ =	swait.ge [sflag:s5], $0x4000;
	s14 =	sshll.u32 s11, $0xE;
	s16 =	simm.s32 $0x0  }
0x1e: {  	p1 =	por $0x1, $0x1;
	s13 =	sand.u32 $0x10000, s13;
	[sflag:s5] =	ssyncset.done $0x0  }
0x1f: {  	s14 =	sand.u32 $0x4000, s14;
	s15 =	sshrl.u32 s13, $0x2;
	[sflag:s5] =	ssyncadd.s32 $0xFFFFC000  }
0x20: {  	s13 =	sor.u32 $0x8000, s14;
	s14 =	sadd.s32 $0x8040, s15;
	s15 =	sadd.s32 $0x40, s15  }
.LBB1_3:
0x21: {  	s16 =	sshll.u32 s16, $0x2  }
0x22: {  	p0 =	por p1, p1;
	s17 =	sshra.s32 s16, $0x2  }
0x23: {  	s18 =	simm.s32 $0x0;
	s16 =	sadd.s32 s17, s14;
	s17 =	sadd.s32 s17, s15  }
.LBB1_4:
0x24: {  	v0 =	vmov s17;
	_ =	sdelay $0x3  }
0x25: {  	s20 =	simm.s32 $0x0  }
0x26: {  	v6 =	vld.idx.msk [tilespmem:v0+s20+$0x30 ss:$0x1], $0xffff  }
0x27: {  	v7 =	vld.idx.msk [tilespmem:v0+s20+$0xFFFFFFC0 ss:$0x1], $0xffff  }
0x28: {  	v5 =	vld.idx.msk [tilespmem:v0+s20+$0xFFFFFFD0 ss:$0x1], $0xffff  }
0x29: {  	v4 =	vld.idx.msk [tilespmem:v0+s20+$0xFFFFFFE0 ss:$0x1], $0xffff  }
0x2a: {  	v3 =	vld.idx.msk [tilespmem:v0+s20+$0xFFFFFFF0 ss:$0x1], $0xffff  }
0x2b: {  	v1 =	vld.idx.msk [tilespmem:v0+s20+$0x0 ss:$0x1], $0xffff  }
0x2c: {  	v2 =	vld.idx.msk [tilespmem:v0+s20+$0x10 ss:$0x1], $0xffff;
	[tilespmem:s16+$0x30] =	vst v6  }
0x2d: {  	s19 =	simm.s32 $0x80;
	s21 =	simm.s32 $0x400;
	[tilespmem:s16+$0xFFFFFFC0] =	vst v7;
	v6 =	vld.idx.msk [tilespmem:v0+s20+$0x20 ss:$0x1], $0xffff;
	s20 =	smov.u32 s16  }
.LBB1_5:
0x2e: {  	p1 =	sne.s32 s21, $0xE00;
	v7 =	vld.idx.msk [tilespmem:v0+s19+$0x30 ss:$0x1], $0xffff;
	[tilespmem:s20+$0xFFFFFFD0] =	vst v5  }
0x2f: {  	v8 =	vld.idx.msk [tilespmem:v0+s19+$0xFFFFFFC0 ss:$0x1], $0xffff;
	[tilespmem:s20+$0xFFFFFFE0] =	vst v4  }
0x30: {  	v5 =	vld.idx.msk [tilespmem:v0+s19+$0xFFFFFFD0 ss:$0x1], $0xffff;
	[tilespmem:s20+$0xFFFFFFF0] =	vst v3  }
.Ltmp3:
0x31: {  	v4 =	vld.idx.msk [tilespmem:v0+s19+$0xFFFFFFE0 ss:$0x1], $0xffff;
	[tilespmem:s20+$0x0] =	vst v1;
	(pc) =	sbr.rel @p1 .LBB1_5-.Ltmp3, $4  }
0x32: {  	v3 =	vld.idx.msk [tilespmem:v0+s19+$0xFFFFFFF0 ss:$0x1], $0xffff;
	[tilespmem:s20+$0x10] =	vst v2  }
0x33: {  	v1 =	vld.idx.msk [tilespmem:v0+s19+$0x0 ss:$0x1], $0xffff;
	[tilespmem:s20+$0x20] =	vst v6;
	s20 =	sadd.s32 $0x400, s20  }
0x34: {  	v2 =	vld.idx.msk [tilespmem:v0+s19+$0x10 ss:$0x1], $0xffff;
	[tilespmem:s20+$0x30] =	vst v7  }
0x35: {  	[tilespmem:s20+$0xFFFFFFC0] =	vst v8;
	v6 =	vld.idx.msk [tilespmem:v0+s19+$0x20 ss:$0x1], $0xffff;
	s19 =	sshra.s32 s21, $0x2;
	s21 =	sadd.s32 $0x200, s21  }
0x36: {  	_ =	sdelay $0x2  }
0x37: {  	[tilespmem:s20+$0xFFFFFFD0] =	vst v5  }
0x38: {  	v56 =	vld.idx.msk [tilespmem:v0+s19+$0x30 ss:$0x1], $0xffff;
	[tilespmem:s20+$0xFFFFFFE0] =	vst v4  }
0x39: {  	v57 =	vld.idx.msk [tilespmem:v0+s19+$0xFFFFFFC0 ss:$0x1], $0xffff;
	[tilespmem:s20+$0xFFFFFFF0] =	vst v3  }
0x3a: {  	v58 =	vld.idx.msk [tilespmem:v0+s19+$0xFFFFFFD0 ss:$0x1], $0xffff;
	[tilespmem:s20+$0x0] =	vst v1  }
0x3b: {  	v59 =	vld.idx.msk [tilespmem:v0+s19+$0xFFFFFFE0 ss:$0x1], $0xffff;
	[tilespmem:s20+$0x10] =	vst v2  }
0x3c: {  	v60 =	vld.idx.msk [tilespmem:v0+s19+$0xFFFFFFF0 ss:$0x1], $0xffff;
	s31 =	sadd.s32 $0x400, s20;
	[tilespmem:s20+$0x20] =	vst v6  }
0x3d: {  	v61 =	vld.idx.msk [tilespmem:v0+s19+$0x0 ss:$0x1], $0xffff;
	[tilespmem:s31+$0x30] =	vst v56  }
0x3e: {  	v62 =	vld.idx.msk [tilespmem:v0+s19+$0x10 ss:$0x1], $0xffff;
	s18 =	sadd.s32 $0x1, s18;
	[tilespmem:s31+$0xFFFFFFC0] =	vst v57  }
0x3f: {  	v63 =	vld.idx.msk [tilespmem:v0+s19+$0x20 ss:$0x1], $0xffff;
	p1 =	sne.s32 s18, $0x8;
	[tilespmem:s31+$0xFFFFFFD0] =	vst v58  }
.Ltmp4:
0x40: {  	[tilespmem:s31+$0xFFFFFFE0] =	vst v59;
	(pc) =	sbr.rel @p1 .LBB1_4-.Ltmp4, $4  }
0x41: {  	[tilespmem:s31+$0xFFFFFFF0] =	vst v60  }
0x42: {  	[tilespmem:s31+$0x0] =	vst v61  }
0x43: {  	[tilespmem:s31+$0x10] =	vst v62  }
0x44: {  	s16 =	sadd.s32 $0x80, s16;
	s17 =	sadd.s32 $0x400, s17;
	[tilespmem:s31+$0x20] =	vst v63  }
.Ltmp5:
0x45: {  	(pc) =	sbr.rel @p0 .LBB1_3-.Ltmp5, $2  }
0x46: {  	_ =	sdelay $0x2  }
0x47: {  	s16 =	simm.s32 $0x2000;
	p1 =	por $0x0, $0x0  }
.Ltmp6:
0x48: {  	(pc) =	sbr.rel .LBB1_9-.Ltmp6, $4  }
0x49: {  	_ = 	snop  }
0x4a: {  	s12 =	sshll.u32 s12, $0xA  }
0x4b: {  	s12 =	sadd.s32 s4, s12  }
0x4c: {  	[hbm4b:s12+s8] =	stream.linear.scatter [tilespmem:s13], [sflag:$0x2], $0x4000, $0x38;
	[tilespmem:$0x10000] =	vst v63  }
.LBB1_10:
0x4d: {  	_ =	sfence.sel $0x180000  }
0x4e: {  	s2 =	simm.s32 $0x1;
	[bflag:$0x0] =	sbarrier.arrive $0xFFFF  }
0x4f: {  	s31 =	simm.s32 $0x2;
	[sflag:s2] =	ssyncpa.u1 $0x1  }
0x50: {  	[sflag:s31] =	ssyncpa.u1 $0x1  }
0x51: {  	p0 =	sne.s32 s0, $0x0;
	_ =	strace $0x90000047  }
0x52: {  	s0 =	sadd.s32 @!p0 $0x100000, s1;
	[bflag:$0x2] =	sbarrier.arrive $0xFFFF  }
0x53: {  	[sflag:s0] =	ssyncadd.tile.s32 @!p0 $0x1;
	_ =	shalt  }
.Lfunc_end1:
_tile_overlayer_lowered:
.L_overlay_start_2:
0x54: {  	(tag) =	ssettag $0x2  }
0x55: {  	s0 =	rddreg [dreg:$0x0];
	s2 =	stileid.u32  }
0x56: {  	s1 =	rddreg [dreg:$0x1];
	p0 =	sne.s32 s2, $0x0  }
0x57: {  	s3 =	rddreg [dreg:$0x2];
	[bflag:$0x3] =	sbarrier.arrive $0xFFFF;
	s2 =	simm.s32 @!p0 $0x1C01  }
0x58: {  	[timem:s3], [sflag:s2] =	dma.local @!p0 [hbm:s0], s1  }
0x59: {  	s0 =	simm.s32 @!p0 $0x1  }
0x5a: {  	_ =	swait.ge @!p0 [sflag:s0], s1  }
0x5b: {  	s1 =	ssub.s32 @!p0 $0x0, s1;
	[sflag:s0] =	ssyncset.done @!p0 $0x0  }
0x5c: {  	[sflag:s0] =	ssyncadd.s32 @!p0 s1  }
0x5d: {  	[bflag:$0x3] =	sbarrier.arrive $0xFFFF  }
0x5e: {  	_ =	shalt  }

</sc_bundles>
